<compile_context>
chip_gen: v7x
topology: tpu7x:2x2x1
jax: 0.10.2.dev20260603
libtpu: 0.0.44.dev20260713+nightly
codegen_flags: <defaults>
</compile_context>

<pallas_src>
import functools

import jax
import jax.numpy as jnp
from jax import lax
from jax.experimental import pallas as pl
from jax.experimental.pallas import tpu as pltpu
from jax.experimental.pallas import tpu_sc as plsc

F = 26
B = 4096
H = 20
V = 100000
D = 32
L = 16

NW = 32
PAIRS_PER_TILE = (F * D) // NW


def _make_sc_kernel():
    info = plsc.get_sparse_core_info()
    nc = info.num_cores
    mesh = plsc.VectorSubcoreMesh(core_axis_name="c", subcore_axis_name="s")

    @functools.partial(
        pl.kernel,
        mesh=mesh,
        compiler_params=pltpu.CompilerParams(needs_layout_passes=False),
        out_type=jax.ShapeDtypeStruct((F, D, B), jnp.float32),
        scratch_types=[
            pltpu.VMEM((V,), jnp.float32),
            pltpu.VMEM((B,), jnp.int32),
            pltpu.VMEM((B,), jnp.int32),
            pltpu.VMEM((B,), jnp.int32),
            pltpu.VMEM((B,), jnp.int32),
            pltpu.VMEM((B,), jnp.float32),
            pltpu.SemaphoreType.DMA,
        ],
    )
    def k(tab_hbm, idx_hbm, out_hbm, slab_v, ia0, ia1, ib0, ib1, acc_v, sem):
        wid = lax.axis_index("s") * nc + lax.axis_index("c")
        T = H // 2

        pltpu.sync_copy(tab_hbm.at[0, 0], slab_v)

        def pair_body(i, carry):
            p = wid * PAIRS_PER_TILE + i
            f = lax.shift_right_logical(p, 5)
            d = lax.bitwise_and(p, D - 1)
            pltpu.sync_copy(idx_hbm.at[f, 0], ia0)
            pltpu.sync_copy(idx_hbm.at[f, 1], ia1)
            bufs = ((ia0, ia1), (ib0, ib1))
            for t in range(T):
                cur0, cur1 = bufs[t % 2]
                nxt0, nxt1 = bufs[(t + 1) % 2]
                if t + 1 < T:
                    cp0 = pltpu.async_copy(idx_hbm.at[f, 2 * t + 2], nxt0, sem)
                    cp1 = pltpu.async_copy(idx_hbm.at[f, 2 * t + 3], nxt1, sem)

                first = t == 0

                @plsc.parallel_loop(0, B // (4 * L), unroll=2)
                def j_body(j):
                    sls = [pl.ds((4 * j + k) * L, L) for k in range(4)]
                    i0 = [cur0[s] for s in sls]
                    i1 = [cur1[s] for s in sls]
                    g0 = [plsc.load_gather(slab_v, [v]) for v in i0]
                    g1 = [plsc.load_gather(slab_v, [v]) for v in i1]
                    gs = [a + b for a, b in zip(g0, g1)]
                    for s, g in zip(sls, gs):
                        if first:
                            acc_v[s] = g
                        else:
                            plsc.addupdate(acc_v.at[s], g)
                if t + 1 < T:
                    cp0.wait()
                    cp1.wait()
            pltpu.sync_copy(acc_v, out_hbm.at[f, d])
            return carry

        lax.fori_loop(0, PAIRS_PER_TILE, pair_body, 0)

    return k


_sc_kernel = _make_sc_kernel()


@jax.jit
def kernel(inputs, tables):
    idx_t = jnp.transpose(inputs.astype(jnp.int32), (0, 2, 1))
    tab_t = jnp.transpose(tables, (0, 2, 1))
    out = _sc_kernel(tab_t, idx_t)
    return jnp.transpose(out, (2, 0, 1))

# --- scband reference (transcript-rebuilt; emitter-appended) ---
"""Pipeline reference for scband-factorization-machines-embeddings-layer-41034117546110 (READ-ONLY COPY).

The authoritative reference and input builder live on the scoring server;
editing this copy changes nothing except your own understanding.
"""

import jax, jax.numpy as jnp
import numpy as np

N_FIELDS = 26
BATCH = 4096
HIST = 20
VOCAB = 100000
DIM = 32


def setup_inputs(seed: int = 0) -> dict:
    key = jax.random.key(seed)
    k_idx, k_tab = jax.random.split(key)
    # Multi-hot categorical indices per field, stacked: [n_fields, batch, hist_len]
    inputs = jax.random.randint(k_idx, (N_FIELDS, BATCH, HIST), 0, VOCAB, dtype=jnp.int64)
    # One embedding table per field (RandomNormal stddev=0.01), stacked: [n_fields, vocab, dim]
    tables = jax.random.normal(k_tab, (N_FIELDS, VOCAB, DIM), dtype=jnp.float32) * 0.01
    return {"inputs": inputs, "tables": tables}


def reference(inputs, tables):
    # For each categorical field: gather [B, L, DIM] from its table, sum over the
    # multi-hot axis (axis=1), giving [B, DIM]. (Note: tf.reduce_sum ignores the
    # keras mask produced by mask_zero, so index-0 embeddings are included, as in
    # the original module.)
    def per_field(table, idx):
        emb = jnp.take(table, idx, axis=0)  # [B, L, DIM]
        return jnp.sum(emb, axis=1)  # [B, DIM]

    field_embs = jax.vmap(per_field)(tables, inputs)  # [F, B, DIM]
    # Original: concat [B, DIM] blocks along axis=1 -> [B, F*DIM], then reshape
    # to (B, F, DIM). Equivalent to transposing the stacked field axis to axis 1.
    out = jnp.transpose(field_embs, (1, 0, 2))  # [B, F, DIM]
    return out

if __name__ == "__main__":
    import jax
    _d = setup_inputs()
    print(jax.jit(kernel)(*tuple(_d.values())))

</pallas_src>

<mosaic_0001>
#map = affine_map<(d0, d1) -> (0, 0, 0)>
module attributes {stable_mosaic.version = 14 : i64} {
  func.func @k(%arg0: i32, %arg1: i32, %arg2: memref<26x32x100000xf32, #tpu.memory_space<hbm>>, %arg3: memref<26x20x4096xi32, #tpu.memory_space<hbm>>, %arg4: memref<26x32x4096xf32, #tpu.memory_space<hbm>>, %arg5: memref<100000xf32, #tpu.memory_space<vmem>>, %arg6: memref<4096xi32, #tpu.memory_space<vmem>>, %arg7: memref<4096xi32, #tpu.memory_space<vmem>>, %arg8: memref<4096xi32, #tpu.memory_space<vmem>>, %arg9: memref<4096xi32, #tpu.memory_space<vmem>>, %arg10: memref<4096xf32, #tpu.memory_space<vmem>>, %arg11: memref<!tpu.dma_semaphore, #tpu.memory_space<semaphore_mem>>) attributes {dimension_semantics = [#tpu.dimension_semantics<core_parallel>, #tpu.dimension_semantics<subcore_parallel>], iteration_bounds = array<i64: 2, 16>, scalar_prefetch = 0 : i64, scratch_operands = 7 : i64, tpu.core_type = #tpu.core_type<sc_vector_subcore>, window_params = [{transform_indices = #map}, {transform_indices = #map}, {transform_indices = #map}]} {
    %mul3A = arith.constant 2 : i32
    %mul3A_0 = arith.muli %arg1, %mul3A : i32
    %add3A = arith.addi %mul3A_0, %arg0 : i32
    %run_scoped3A = arith.constant 0 : i32
    %run_scoped3A_1 = arith.constant 0 : i32
    "tpu.region"() ({
      %run_scoped3A_7 = tpu.sem_alloc : memref<!tpu.dma_semaphore, #tpu.memory_space<semaphore_mem>>
      %dma_start3A = arith.constant 0 : i32
      %dma_start3A_8 = tpu.memref_slice %arg2[%run_scoped3A, %run_scoped3A_1, %dma_start3A] : memref<26x32x100000xf32, #tpu.memory_space<hbm>> -> memref<1x1x100000xf32, #tpu.memory_space<hbm>>
      %dma_start3A_9 = tpu.memref_squeeze %dma_start3A_8 : memref<1x1x100000xf32, #tpu.memory_space<hbm>> -> memref<100000xf32, #tpu.memory_space<hbm>>
      %dma_start3A_10 = arith.constant 0 : i32
      %dma_start3A_11 = tpu.memref_slice %arg2[%run_scoped3A, %run_scoped3A_1, %dma_start3A_10] : memref<26x32x100000xf32, #tpu.memory_space<hbm>> -> memref<1x1x100000xf32, #tpu.memory_space<hbm>>
      %dma_start3A_12 = tpu.memref_squeeze %dma_start3A_11 : memref<1x1x100000xf32, #tpu.memory_space<hbm>> -> memref<100000xf32, #tpu.memory_space<hbm>>
      tpu.enqueue_dma source(%dma_start3A_12 : memref<100000xf32, #tpu.memory_space<hbm>>) target(%arg5 : memref<100000xf32, #tpu.memory_space<vmem>>) target_semaphore(%run_scoped3A_7 : memref<!tpu.dma_semaphore, #tpu.memory_space<semaphore_mem>>)
      %dma_wait3A = arith.constant 0 : i32
      %dma_wait3A_13 = tpu.memref_slice %arg2[%run_scoped3A, %run_scoped3A_1, %dma_wait3A] : memref<26x32x100000xf32, #tpu.memory_space<hbm>> -> memref<1x1x100000xf32, #tpu.memory_space<hbm>>
      %dma_wait3A_14 = tpu.memref_squeeze %dma_wait3A_13 : memref<1x1x100000xf32, #tpu.memory_space<hbm>> -> memref<100000xf32, #tpu.memory_space<hbm>>
      %dma_wait3A_15 = arith.constant 0 : i32
      %dma_wait3A_16 = tpu.memref_slice %arg2[%run_scoped3A, %run_scoped3A_1, %dma_wait3A_15] : memref<26x32x100000xf32, #tpu.memory_space<hbm>> -> memref<1x1x100000xf32, #tpu.memory_space<hbm>>
      %dma_wait3A_17 = tpu.memref_squeeze %dma_wait3A_16 : memref<1x1x100000xf32, #tpu.memory_space<hbm>> -> memref<100000xf32, #tpu.memory_space<hbm>>
      tpu.wait_dma2 semaphore(%run_scoped3A_7 : memref<!tpu.dma_semaphore, #tpu.memory_space<semaphore_mem>>) src(%dma_wait3A_17 : memref<100000xf32, #tpu.memory_space<hbm>>) dst(%arg5 : memref<100000xf32, #tpu.memory_space<vmem>>)
      tpu.yield
    }) : () -> ()
    %scan3A = arith.constant 0 : i32
    %scan3A_2 = arith.constant 0 : i32
    %scan3A_3 = arith.constant 26 : i32
    %scan3A_4 = arith.addi %scan3A_2, %scan3A_3 : i32
    %scan3A_5 = arith.constant 1 : i32
    scf.for %scan3A_7 = %scan3A_2 to %scan3A_4 step %scan3A_5  : i32 {
      %mul3A_8 = arith.constant 26 : i32
      %mul3A_9 = arith.muli %add3A, %mul3A_8 : i32
      %add3A_10 = arith.addi %mul3A_9, %scan3A_7 : i32
      %shift_right_logical3A = arith.constant 5 : i32
      %shift_right_logical3A_11 = arith.shrui %add3A_10, %shift_right_logical3A : i32
      %and3A = arith.constant 31 : i32
      %and3A_12 = arith.andi %add3A_10, %and3A : i32
      %run_scoped3A_13 = arith.constant 0 : i32
      "tpu.region"() ({
        %run_scoped3A_294 = tpu.sem_alloc : memref<!tpu.dma_semaphore, #tpu.memory_space<semaphore_mem>>
        %dma_start3A_295 = arith.constant 0 : i32
        %dma_start3A_296 = tpu.memref_slice %arg3[%shift_right_logical3A_11, %run_scoped3A_13, %dma_start3A_295] : memref<26x20x4096xi32, #tpu.memory_space<hbm>> -> memref<1x1x4096xi32, #tpu.memory_space<hbm>>
        %dma_start3A_297 = tpu.memref_squeeze %dma_start3A_296 : memref<1x1x4096xi32, #tpu.memory_space<hbm>> -> memref<4096xi32, #tpu.memory_space<hbm>>
        %dma_start3A_298 = arith.constant 0 : i32
        %dma_start3A_299 = tpu.memref_slice %arg3[%shift_right_logical3A_11, %run_scoped3A_13, %dma_start3A_298] : memref<26x20x4096xi32, #tpu.memory_space<hbm>> -> memref<1x1x4096xi32, #tpu.memory_space<hbm>>
        %dma_start3A_300 = tpu.memref_squeeze %dma_start3A_299 : memref<1x1x4096xi32, #tpu.memory_space<hbm>> -> memref<4096xi32, #tpu.memory_space<hbm>>
        tpu.enqueue_dma source(%dma_start3A_300 : memref<4096xi32, #tpu.memory_space<hbm>>) target(%arg6 : memref<4096xi32, #tpu.memory_space<vmem>>) target_semaphore(%run_scoped3A_294 : memref<!tpu.dma_semaphore, #tpu.memory_space<semaphore_mem>>)
        %dma_wait3A_301 = arith.constant 0 : i32
        %dma_wait3A_302 = tpu.memref_slice %arg3[%shift_right_logical3A_11, %run_scoped3A_13, %dma_wait3A_301] : memref<26x20x4096xi32, #tpu.memory_space<hbm>> -> memref<1x1x4096xi32, #tpu.memory_space<hbm>>
        %dma_wait3A_303 = tpu.memref_squeeze %dma_wait3A_302 : memref<1x1x4096xi32, #tpu.memory_space<hbm>> -> memref<4096xi32, #tpu.memory_space<hbm>>
        %dma_wait3A_304 = arith.constant 0 : i32
        %dma_wait3A_305 = tpu.memref_slice %arg3[%shift_right_logical3A_11, %run_scoped3A_13, %dma_wait3A_304] : memref<26x20x4096xi32, #tpu.memory_space<hbm>> -> memref<1x1x4096xi32, #tpu.memory_space<hbm>>
        %dma_wait3A_306 = tpu.memref_squeeze %dma_wait3A_305 : memref<1x1x4096xi32, #tpu.memory_space<hbm>> -> memref<4096xi32, #tpu.memory_space<hbm>>
        tpu.wait_dma2 semaphore(%run_scoped3A_294 : memref<!tpu.dma_semaphore, #tpu.memory_space<semaphore_mem>>) src(%dma_wait3A_306 : memref<4096xi32, #tpu.memory_space<hbm>>) dst(%arg6 : memref<4096xi32, #tpu.memory_space<vmem>>)
        tpu.yield
      }) : () -> ()
      %run_scoped3A_14 = arith.constant 1 : i32
      "tpu.region"() ({
        %run_scoped3A_294 = tpu.sem_alloc : memref<!tpu.dma_semaphore, #tpu.memory_space<semaphore_mem>>
        %dma_start3A_295 = arith.constant 0 : i32
        %dma_start3A_296 = tpu.memref_slice %arg3[%shift_right_logical3A_11, %run_scoped3A_14, %dma_start3A_295] : memref<26x20x4096xi32, #tpu.memory_space<hbm>> -> memref<1x1x4096xi32, #tpu.memory_space<hbm>>
        %dma_start3A_297 = tpu.memref_squeeze %dma_start3A_296 : memref<1x1x4096xi32, #tpu.memory_space<hbm>> -> memref<4096xi32, #tpu.memory_space<hbm>>
        %dma_start3A_298 = arith.constant 0 : i32
        %dma_start3A_299 = tpu.memref_slice %arg3[%shift_right_logical3A_11, %run_scoped3A_14, %dma_start3A_298] : memref<26x20x4096xi32, #tpu.memory_space<hbm>> -> memref<1x1x4096xi32, #tpu.memory_space<hbm>>
        %dma_start3A_300 = tpu.memref_squeeze %dma_start3A_299 : memref<1x1x4096xi32, #tpu.memory_space<hbm>> -> memref<4096xi32, #tpu.memory_space<hbm>>
        tpu.enqueue_dma source(%dma_start3A_300 : memref<4096xi32, #tpu.memory_space<hbm>>) target(%arg7 : memref<4096xi32, #tpu.memory_space<vmem>>) target_semaphore(%run_scoped3A_294 : memref<!tpu.dma_semaphore, #tpu.memory_space<semaphore_mem>>)
        %dma_wait3A_301 = arith.constant 0 : i32
        %dma_wait3A_302 = tpu.memref_slice %arg3[%shift_right_logical3A_11, %run_scoped3A_14, %dma_wait3A_301] : memref<26x20x4096xi32, #tpu.memory_space<hbm>> -> memref<1x1x4096xi32, #tpu.memory_space<hbm>>
        %dma_wait3A_303 = tpu.memref_squeeze %dma_wait3A_302 : memref<1x1x4096xi32, #tpu.memory_space<hbm>> -> memref<4096xi32, #tpu.memory_space<hbm>>
        %dma_wait3A_304 = arith.constant 0 : i32
        %dma_wait3A_305 = tpu.memref_slice %arg3[%shift_right_logical3A_11, %run_scoped3A_14, %dma_wait3A_304] : memref<26x20x4096xi32, #tpu.memory_space<hbm>> -> memref<1x1x4096xi32, #tpu.memory_space<hbm>>
        %dma_wait3A_306 = tpu.memref_squeeze %dma_wait3A_305 : memref<1x1x4096xi32, #tpu.memory_space<hbm>> -> memref<4096xi32, #tpu.memory_space<hbm>>
        tpu.wait_dma2 semaphore(%run_scoped3A_294 : memref<!tpu.dma_semaphore, #tpu.memory_space<semaphore_mem>>) src(%dma_wait3A_306 : memref<4096xi32, #tpu.memory_space<hbm>>) dst(%arg7 : memref<4096xi32, #tpu.memory_space<vmem>>)
        tpu.yield
      }) : () -> ()
      %dma_start3A = arith.constant 2 : i32
      %dma_start3A_15 = arith.constant 0 : i32
      %dma_start3A_16 = tpu.memref_slice %arg3[%shift_right_logical3A_11, %dma_start3A, %dma_start3A_15] : memref<26x20x4096xi32, #tpu.memory_space<hbm>> -> memref<1x1x4096xi32, #tpu.memory_space<hbm>>
      %dma_start3A_17 = tpu.memref_squeeze %dma_start3A_16 : memref<1x1x4096xi32, #tpu.memory_space<hbm>> -> memref<4096xi32, #tpu.memory_space<hbm>>
      %dma_start3A_18 = arith.constant 0 : i32
      %dma_start3A_19 = tpu.memref_slice %arg3[%shift_right_logical3A_11, %dma_start3A, %dma_start3A_18] : memref<26x20x4096xi32, #tpu.memory_space<hbm>> -> memref<1x1x4096xi32, #tpu.memory_space<hbm>>
      %dma_start3A_20 = tpu.memref_squeeze %dma_start3A_19 : memref<1x1x4096xi32, #tpu.memory_space<hbm>> -> memref<4096xi32, #tpu.memory_space<hbm>>
      tpu.enqueue_dma source(%dma_start3A_20 : memref<4096xi32, #tpu.memory_space<hbm>>) target(%arg8 : memref<4096xi32, #tpu.memory_space<vmem>>) target_semaphore(%arg11 : memref<!tpu.dma_semaphore, #tpu.memory_space<semaphore_mem>>)
      %dma_start3A_21 = arith.constant 3 : i32
      %dma_start3A_22 = arith.constant 0 : i32
      %dma_start3A_23 = tpu.memref_slice %arg3[%shift_right_logical3A_11, %dma_start3A_21, %dma_start3A_22] : memref<26x20x4096xi32, #tpu.memory_space<hbm>> -> memref<1x1x4096xi32, #tpu.memory_space<hbm>>
      %dma_start3A_24 = tpu.memref_squeeze %dma_start3A_23 : memref<1x1x4096xi32, #tpu.memory_space<hbm>> -> memref<4096xi32, #tpu.memory_space<hbm>>
      %dma_start3A_25 = arith.constant 0 : i32
      %dma_start3A_26 = tpu.memref_slice %arg3[%shift_right_logical3A_11, %dma_start3A_21, %dma_start3A_25] : memref<26x20x4096xi32, #tpu.memory_space<hbm>> -> memref<1x1x4096xi32, #tpu.memory_space<hbm>>
      %dma_start3A_27 = tpu.memref_squeeze %dma_start3A_26 : memref<1x1x4096xi32, #tpu.memory_space<hbm>> -> memref<4096xi32, #tpu.memory_space<hbm>>
      tpu.enqueue_dma source(%dma_start3A_27 : memref<4096xi32, #tpu.memory_space<hbm>>) target(%arg9 : memref<4096xi32, #tpu.memory_space<vmem>>) target_semaphore(%arg11 : memref<!tpu.dma_semaphore, #tpu.memory_space<semaphore_mem>>)
      %parallel_loop3A = arith.constant 0 : i32
      %parallel_loop3A_28 = arith.constant 64 : i32
      %parallel_loop3A_29 = arith.constant 1 : i32
      scf.for %parallel_loop3A_294 = %parallel_loop3A to %parallel_loop3A_28 step %parallel_loop3A_29  : i32 {
        %parallel_loop3A_295 = arith.constant 4 : i32
        %parallel_loop3A_296 = arith.muli %parallel_loop3A_295, %parallel_loop3A_294 : i32
        %parallel_loop3A_297 = arith.constant 0 : i32
        %parallel_loop3A_298 = arith.addi %parallel_loop3A_296, %parallel_loop3A_297 : i32
        %parallel_loop3A_299 = arith.constant 16 : i32
        %parallel_loop3A_300 = arith.muli %parallel_loop3A_298, %parallel_loop3A_299 : i32
        %parallel_loop3A_301 = arith.constant 4 : i32
        %parallel_loop3A_302 = arith.muli %parallel_loop3A_301, %parallel_loop3A_294 : i32
        %parallel_loop3A_303 = arith.constant 1 : i32
        %parallel_loop3A_304 = arith.addi %parallel_loop3A_302, %parallel_loop3A_303 : i32
        %parallel_loop3A_305 = arith.constant 16 : i32
        %parallel_loop3A_306 = arith.muli %parallel_loop3A_304, %parallel_loop3A_305 : i32
        %parallel_loop3A_307 = arith.constant 4 : i32
        %parallel_loop3A_308 = arith.muli %parallel_loop3A_307, %parallel_loop3A_294 : i32
        %parallel_loop3A_309 = arith.constant 2 : i32
        %parallel_loop3A_310 = arith.addi %parallel_loop3A_308, %parallel_loop3A_309 : i32
        %parallel_loop3A_311 = arith.constant 16 : i32
        %parallel_loop3A_312 = arith.muli %parallel_loop3A_310, %parallel_loop3A_311 : i32
        %parallel_loop3A_313 = arith.constant 4 : i32
        %parallel_loop3A_314 = arith.muli %parallel_loop3A_313, %parallel_loop3A_294 : i32
        %parallel_loop3A_315 = arith.constant 3 : i32
        %parallel_loop3A_316 = arith.addi %parallel_loop3A_314, %parallel_loop3A_315 : i32
        %parallel_loop3A_317 = arith.constant 16 : i32
        %parallel_loop3A_318 = arith.muli %parallel_loop3A_316, %parallel_loop3A_317 : i32
        %parallel_loop3A_319 = arith.index_cast %parallel_loop3A_300 : i32 to index
        %parallel_loop3A_320 = tpu.vector_load %arg6[%parallel_loop3A_319] {strides = array<i32>} : memref<4096xi32, #tpu.memory_space<vmem>>, vector<16xi32>,
        %parallel_loop3A_321 = arith.index_cast %parallel_loop3A_306 : i32 to index
        %parallel_loop3A_322 = tpu.vector_load %arg6[%parallel_loop3A_321] {strides = array<i32>} : memref<4096xi32, #tpu.memory_space<vmem>>, vector<16xi32>,
        %parallel_loop3A_323 = arith.index_cast %parallel_loop3A_312 : i32 to index
        %parallel_loop3A_324 = tpu.vector_load %arg6[%parallel_loop3A_323] {strides = array<i32>} : memref<4096xi32, #tpu.memory_space<vmem>>, vector<16xi32>,
        %parallel_loop3A_325 = arith.index_cast %parallel_loop3A_318 : i32 to index
        %parallel_loop3A_326 = tpu.vector_load %arg6[%parallel_loop3A_325] {strides = array<i32>} : memref<4096xi32, #tpu.memory_space<vmem>>, vector<16xi32>,
        %parallel_loop3A_327 = arith.index_cast %parallel_loop3A_300 : i32 to index
        %parallel_loop3A_328 = tpu.vector_load %arg7[%parallel_loop3A_327] {strides = array<i32>} : memref<4096xi32, #tpu.memory_space<vmem>>, vector<16xi32>,
        %parallel_loop3A_329 = arith.index_cast %parallel_loop3A_306 : i32 to index
        %parallel_loop3A_330 = tpu.vector_load %arg7[%parallel_loop3A_329] {strides = array<i32>} : memref<4096xi32, #tpu.memory_space<vmem>>, vector<16xi32>,
        %parallel_loop3A_331 = arith.index_cast %parallel_loop3A_312 : i32 to index
        %parallel_loop3A_332 = tpu.vector_load %arg7[%parallel_loop3A_331] {strides = array<i32>} : memref<4096xi32, #tpu.memory_space<vmem>>, vector<16xi32>,
        %parallel_loop3A_333 = arith.index_cast %parallel_loop3A_318 : i32 to index
        %parallel_loop3A_334 = tpu.vector_load %arg7[%parallel_loop3A_333] {strides = array<i32>} : memref<4096xi32, #tpu.memory_space<vmem>>, vector<16xi32>,
        %parallel_loop3A_335 = tpu.vector_load_idx %arg5[%parallel_loop3A_320] : memref<100000xf32, #tpu.memory_space<vmem>>[vector<16xi32>], vector<16xf32>,
        %parallel_loop3A_336 = tpu.vector_load_idx %arg5[%parallel_loop3A_322] : memref<100000xf32, #tpu.memory_space<vmem>>[vector<16xi32>], vector<16xf32>,
        %parallel_loop3A_337 = tpu.vector_load_idx %arg5[%parallel_loop3A_324] : memref<100000xf32, #tpu.memory_space<vmem>>[vector<16xi32>], vector<16xf32>,
        %parallel_loop3A_338 = tpu.vector_load_idx %arg5[%parallel_loop3A_326] : memref<100000xf32, #tpu.memory_space<vmem>>[vector<16xi32>], vector<16xf32>,
        %parallel_loop3A_339 = tpu.vector_load_idx %arg5[%parallel_loop3A_328] : memref<100000xf32, #tpu.memory_space<vmem>>[vector<16xi32>], vector<16xf32>,
        %parallel_loop3A_340 = tpu.vector_load_idx %arg5[%parallel_loop3A_330] : memref<100000xf32, #tpu.memory_space<vmem>>[vector<16xi32>], vector<16xf32>,
        %parallel_loop3A_341 = tpu.vector_load_idx %arg5[%parallel_loop3A_332] : memref<100000xf32, #tpu.memory_space<vmem>>[vector<16xi32>], vector<16xf32>,
        %parallel_loop3A_342 = tpu.vector_load_idx %arg5[%parallel_loop3A_334] : memref<100000xf32, #tpu.memory_space<vmem>>[vector<16xi32>], vector<16xf32>,
        %parallel_loop3A_343 = arith.addf %parallel_loop3A_335, %parallel_loop3A_339 : vector<16xf32>
        %parallel_loop3A_344 = arith.addf %parallel_loop3A_336, %parallel_loop3A_340 : vector<16xf32>
        %parallel_loop3A_345 = arith.addf %parallel_loop3A_337, %parallel_loop3A_341 : vector<16xf32>
        %parallel_loop3A_346 = arith.addf %parallel_loop3A_338, %parallel_loop3A_342 : vector<16xf32>
        %parallel_loop3A_347 = arith.index_cast %parallel_loop3A_300 : i32 to index
        %parallel_loop3A_348 = tpu.vector_load %arg10[%parallel_loop3A_347] {strides = array<i32>} : memref<4096xf32, #tpu.memory_space<vmem>>, vector<16xf32>,
        tpu.vector_store %arg10[%parallel_loop3A_347], %parallel_loop3A_343 {strides = array<i32>} : memref<4096xf32, #tpu.memory_space<vmem>>, vector<16xf32>,
        %parallel_loop3A_349 = arith.index_cast %parallel_loop3A_306 : i32 to index
        %parallel_loop3A_350 = tpu.vector_load %arg10[%parallel_loop3A_349] {strides = array<i32>} : memref<4096xf32, #tpu.memory_space<vmem>>, vector<16xf32>,
        tpu.vector_store %arg10[%parallel_loop3A_349], %parallel_loop3A_344 {strides = array<i32>} : memref<4096xf32, #tpu.memory_space<vmem>>, vector<16xf32>,
        %parallel_loop3A_351 = arith.index_cast %parallel_loop3A_312 : i32 to index
        %parallel_loop3A_352 = tpu.vector_load %arg10[%parallel_loop3A_351] {strides = array<i32>} : memref<4096xf32, #tpu.memory_space<vmem>>, vector<16xf32>,
        tpu.vector_store %arg10[%parallel_loop3A_351], %parallel_loop3A_345 {strides = array<i32>} : memref<4096xf32, #tpu.memory_space<vmem>>, vector<16xf32>,
        %parallel_loop3A_353 = arith.index_cast %parallel_loop3A_318 : i32 to index
        %parallel_loop3A_354 = tpu.vector_load %arg10[%parallel_loop3A_353] {strides = array<i32>} : memref<4096xf32, #tpu.memory_space<vmem>>, vector<16xf32>,
        tpu.vector_store %arg10[%parallel_loop3A_353], %parallel_loop3A_346 {strides = array<i32>} : memref<4096xf32, #tpu.memory_space<vmem>>, vector<16xf32>,
      } {sc.loop_unroll_factor = 2 : i64, sc.parallel_access}
      %dma_wait3A = arith.constant 2 : i32
      %dma_wait3A_30 = arith.constant 0 : i32
      %dma_wait3A_31 = tpu.memref_slice %arg3[%shift_right_logical3A_11, %dma_wait3A, %dma_wait3A_30] : memref<26x20x4096xi32, #tpu.memory_space<hbm>> -> memref<1x1x4096xi32, #tpu.memory_space<hbm>>
      %dma_wait3A_32 = tpu.memref_squeeze %dma_wait3A_31 : memref<1x1x4096xi32, #tpu.memory_space<hbm>> -> memref<4096xi32, #tpu.memory_space<hbm>>
      %dma_wait3A_33 = arith.constant 0 : i32
      %dma_wait3A_34 = tpu.memref_slice %arg3[%shift_right_logical3A_11, %dma_wait3A, %dma_wait3A_33] : memref<26x20x4096xi32, #tpu.memory_space<hbm>> -> memref<1x1x4096xi32, #tpu.memory_space<hbm>>
      %dma_wait3A_35 = tpu.memref_squeeze %dma_wait3A_34 : memref<1x1x4096xi32, #tpu.memory_space<hbm>> -> memref<4096xi32, #tpu.memory_space<hbm>>
      tpu.wait_dma2 semaphore(%arg11 : memref<!tpu.dma_semaphore, #tpu.memory_space<semaphore_mem>>) src(%dma_wait3A_35 : memref<4096xi32, #tpu.memory_space<hbm>>) dst(%arg8 : memref<4096xi32, #tpu.memory_space<vmem>>)
      %dma_wait3A_36 = arith.constant 3 : i32
      %dma_wait3A_37 = arith.constant 0 : i32
      %dma_wait3A_38 = tpu.memref_slice %arg3[%shift_right_logical3A_11, %dma_wait3A_36, %dma_wait3A_37] : memref<26x20x4096xi32, #tpu.memory_space<hbm>> -> memref<1x1x4096xi32, #tpu.memory_space<hbm>>
      %dma_wait3A_39 = tpu.memref_squeeze %dma_wait3A_38 : memref<1x1x4096xi32, #tpu.memory_space<hbm>> -> memref<4096xi32, #tpu.memory_space<hbm>>
      %dma_wait3A_40 = arith.constant 0 : i32
      %dma_wait3A_41 = tpu.memref_slice %arg3[%shift_right_logical3A_11, %dma_wait3A_36, %dma_wait3A_40] : memref<26x20x4096xi32, #tpu.memory_space<hbm>> -> memref<1x1x4096xi32, #tpu.memory_space<hbm>>
      %dma_wait3A_42 = tpu.memref_squeeze %dma_wait3A_41 : memref<1x1x4096xi32, #tpu.memory_space<hbm>> -> memref<4096xi32, #tpu.memory_space<hbm>>
      tpu.wait_dma2 semaphore(%arg11 : memref<!tpu.dma_semaphore, #tpu.memory_space<semaphore_mem>>) src(%dma_wait3A_42 : memref<4096xi32, #tpu.memory_space<hbm>>) dst(%arg9 : memref<4096xi32, #tpu.memory_space<vmem>>)
      %dma_start3A_43 = arith.constant 4 : i32
      %dma_start3A_44 = arith.constant 0 : i32
      %dma_start3A_45 = tpu.memref_slice %arg3[%shift_right_logical3A_11, %dma_start3A_43, %dma_start3A_44] : memref<26x20x4096xi32, #tpu.memory_space<hbm>> -> memref<1x1x4096xi32, #tpu.memory_space<hbm>>
      %dma_start3A_46 = tpu.memref_squeeze %dma_start3A_45 : memref<1x1x4096xi32, #tpu.memory_space<hbm>> -> memref<4096xi32, #tpu.memory_space<hbm>>
      %dma_start3A_47 = arith.constant 0 : i32
      %dma_start3A_48 = tpu.memref_slice %arg3[%shift_right_logical3A_11, %dma_start3A_43, %dma_start3A_47] : memref<26x20x4096xi32, #tpu.memory_space<hbm>> -> memref<1x1x4096xi32, #tpu.memory_space<hbm>>
      %dma_start3A_49 = tpu.memref_squeeze %dma_start3A_48 : memref<1x1x4096xi32, #tpu.memory_space<hbm>> -> memref<4096xi32, #tpu.memory_space<hbm>>
      tpu.enqueue_dma source(%dma_start3A_49 : memref<4096xi32, #tpu.memory_space<hbm>>) target(%arg6 : memref<4096xi32, #tpu.memory_space<vmem>>) target_semaphore(%arg11 : memref<!tpu.dma_semaphore, #tpu.memory_space<semaphore_mem>>)
      %dma_start3A_50 = arith.constant 5 : i32
      %dma_start3A_51 = arith.constant 0 : i32
      %dma_start3A_52 = tpu.memref_slice %arg3[%shift_right_logical3A_11, %dma_start3A_50, %dma_start3A_51] : memref<26x20x4096xi32, #tpu.memory_space<hbm>> -> memref<1x1x4096xi32, #tpu.memory_space<hbm>>
      %dma_start3A_53 = tpu.memref_squeeze %dma_start3A_52 : memref<1x1x4096xi32, #tpu.memory_space<hbm>> -> memref<4096xi32, #tpu.memory_space<hbm>>
      %dma_start3A_54 = arith.constant 0 : i32
      %dma_start3A_55 = tpu.memref_slice %arg3[%shift_right_logical3A_11, %dma_start3A_50, %dma_start3A_54] : memref<26x20x4096xi32, #tpu.memory_space<hbm>> -> memref<1x1x4096xi32, #tpu.memory_space<hbm>>
      %dma_start3A_56 = tpu.memref_squeeze %dma_start3A_55 : memref<1x1x4096xi32, #tpu.memory_space<hbm>> -> memref<4096xi32, #tpu.memory_space<hbm>>
      tpu.enqueue_dma source(%dma_start3A_56 : memref<4096xi32, #tpu.memory_space<hbm>>) target(%arg7 : memref<4096xi32, #tpu.memory_space<vmem>>) target_semaphore(%arg11 : memref<!tpu.dma_semaphore, #tpu.memory_space<semaphore_mem>>)
      %parallel_loop3A_57 = arith.constant 0 : i32
      %parallel_loop3A_58 = arith.constant 64 : i32
      %parallel_loop3A_59 = arith.constant 1 : i32
      scf.for %parallel_loop3A_294 = %parallel_loop3A_57 to %parallel_loop3A_58 step %parallel_loop3A_59  : i32 {
        %parallel_loop3A_295 = arith.constant 4 : i32
        %parallel_loop3A_296 = arith.muli %parallel_loop3A_295, %parallel_loop3A_294 : i32
        %parallel_loop3A_297 = arith.constant 0 : i32
        %parallel_loop3A_298 = arith.addi %parallel_loop3A_296, %parallel_loop3A_297 : i32
        %parallel_loop3A_299 = arith.constant 16 : i32
        %parallel_loop3A_300 = arith.muli %parallel_loop3A_298, %parallel_loop3A_299 : i32
        %parallel_loop3A_301 = arith.constant 4 : i32
        %parallel_loop3A_302 = arith.muli %parallel_loop3A_301, %parallel_loop3A_294 : i32
        %parallel_loop3A_303 = arith.constant 1 : i32
        %parallel_loop3A_304 = arith.addi %parallel_loop3A_302, %parallel_loop3A_303 : i32
        %parallel_loop3A_305 = arith.constant 16 : i32
        %parallel_loop3A_306 = arith.muli %parallel_loop3A_304, %parallel_loop3A_305 : i32
        %parallel_loop3A_307 = arith.constant 4 : i32
        %parallel_loop3A_308 = arith.muli %parallel_loop3A_307, %parallel_loop3A_294 : i32
        %parallel_loop3A_309 = arith.constant 2 : i32
        %parallel_loop3A_310 = arith.addi %parallel_loop3A_308, %parallel_loop3A_309 : i32
        %parallel_loop3A_311 = arith.constant 16 : i32
        %parallel_loop3A_312 = arith.muli %parallel_loop3A_310, %parallel_loop3A_311 : i32
        %parallel_loop3A_313 = arith.constant 4 : i32
        %parallel_loop3A_314 = arith.muli %parallel_loop3A_313, %parallel_loop3A_294 : i32
        %parallel_loop3A_315 = arith.constant 3 : i32
        %parallel_loop3A_316 = arith.addi %parallel_loop3A_314, %parallel_loop3A_315 : i32
        %parallel_loop3A_317 = arith.constant 16 : i32
        %parallel_loop3A_318 = arith.muli %parallel_loop3A_316, %parallel_loop3A_317 : i32
        %parallel_loop3A_319 = arith.index_cast %parallel_loop3A_300 : i32 to index
        %parallel_loop3A_320 = tpu.vector_load %arg8[%parallel_loop3A_319] {strides = array<i32>} : memref<4096xi32, #tpu.memory_space<vmem>>, vector<16xi32>,
        %parallel_loop3A_321 = arith.index_cast %parallel_loop3A_306 : i32 to index
        %parallel_loop3A_322 = tpu.vector_load %arg8[%parallel_loop3A_321] {strides = array<i32>} : memref<4096xi32, #tpu.memory_space<vmem>>, vector<16xi32>,
        %parallel_loop3A_323 = arith.index_cast %parallel_loop3A_312 : i32 to index
        %parallel_loop3A_324 = tpu.vector_load %arg8[%parallel_loop3A_323] {strides = array<i32>} : memref<4096xi32, #tpu.memory_space<vmem>>, vector<16xi32>,
        %parallel_loop3A_325 = arith.index_cast %parallel_loop3A_318 : i32 to index
        %parallel_loop3A_326 = tpu.vector_load %arg8[%parallel_loop3A_325] {strides = array<i32>} : memref<4096xi32, #tpu.memory_space<vmem>>, vector<16xi32>,
        %parallel_loop3A_327 = arith.index_cast %parallel_loop3A_300 : i32 to index
        %parallel_loop3A_328 = tpu.vector_load %arg9[%parallel_loop3A_327] {strides = array<i32>} : memref<4096xi32, #tpu.memory_space<vmem>>, vector<16xi32>,
        %parallel_loop3A_329 = arith.index_cast %parallel_loop3A_306 : i32 to index
        %parallel_loop3A_330 = tpu.vector_load %arg9[%parallel_loop3A_329] {strides = array<i32>} : memref<4096xi32, #tpu.memory_space<vmem>>, vector<16xi32>,
        %parallel_loop3A_331 = arith.index_cast %parallel_loop3A_312 : i32 to index
        %parallel_loop3A_332 = tpu.vector_load %arg9[%parallel_loop3A_331] {strides = array<i32>} : memref<4096xi32, #tpu.memory_space<vmem>>, vector<16xi32>,
        %parallel_loop3A_333 = arith.index_cast %parallel_loop3A_318 : i32 to index
        %parallel_loop3A_334 = tpu.vector_load %arg9[%parallel_loop3A_333] {strides = array<i32>} : memref<4096xi32, #tpu.memory_space<vmem>>, vector<16xi32>,
        %parallel_loop3A_335 = tpu.vector_load_idx %arg5[%parallel_loop3A_320] : memref<100000xf32, #tpu.memory_space<vmem>>[vector<16xi32>], vector<16xf32>,
        %parallel_loop3A_336 = tpu.vector_load_idx %arg5[%parallel_loop3A_322] : memref<100000xf32, #tpu.memory_space<vmem>>[vector<16xi32>], vector<16xf32>,
        %parallel_loop3A_337 = tpu.vector_load_idx %arg5[%parallel_loop3A_324] : memref<100000xf32, #tpu.memory_space<vmem>>[vector<16xi32>], vector<16xf32>,
        %parallel_loop3A_338 = tpu.vector_load_idx %arg5[%parallel_loop3A_326] : memref<100000xf32, #tpu.memory_space<vmem>>[vector<16xi32>], vector<16xf32>,
        %parallel_loop3A_339 = tpu.vector_load_idx %arg5[%parallel_loop3A_328] : memref<100000xf32, #tpu.memory_space<vmem>>[vector<16xi32>], vector<16xf32>,
        %parallel_loop3A_340 = tpu.vector_load_idx %arg5[%parallel_loop3A_330] : memref<100000xf32, #tpu.memory_space<vmem>>[vector<16xi32>], vector<16xf32>,
        %parallel_loop3A_341 = tpu.vector_load_idx %arg5[%parallel_loop3A_332] : memref<100000xf32, #tpu.memory_space<vmem>>[vector<16xi32>], vector<16xf32>,
        %parallel_loop3A_342 = tpu.vector_load_idx %arg5[%parallel_loop3A_334] : memref<100000xf32, #tpu.memory_space<vmem>>[vector<16xi32>], vector<16xf32>,
        %parallel_loop3A_343 = arith.addf %parallel_loop3A_335, %parallel_loop3A_339 : vector<16xf32>
        %parallel_loop3A_344 = arith.addf %parallel_loop3A_336, %parallel_loop3A_340 : vector<16xf32>
        %parallel_loop3A_345 = arith.addf %parallel_loop3A_337, %parallel_loop3A_341 : vector<16xf32>
        %parallel_loop3A_346 = arith.addf %parallel_loop3A_338, %parallel_loop3A_342 : vector<16xf32>
        %parallel_loop3A_347 = arith.index_cast %parallel_loop3A_300 : i32 to index
        %parallel_loop3A_348 = tpu.vector_load %arg10[%parallel_loop3A_347] {strides = array<i32>} : memref<4096xf32, #tpu.memory_space<vmem>>, vector<16xf32>,
        tpu.vector_store %arg10[%parallel_loop3A_347], %parallel_loop3A_343 {add = true, strides = array<i32>} : memref<4096xf32, #tpu.memory_space<vmem>>, vector<16xf32>,
        %parallel_loop3A_349 = arith.index_cast %parallel_loop3A_306 : i32 to index
        %parallel_loop3A_350 = tpu.vector_load %arg10[%parallel_loop3A_349] {strides = array<i32>} : memref<4096xf32, #tpu.memory_space<vmem>>, vector<16xf32>,
        tpu.vector_store %arg10[%parallel_loop3A_349], %parallel_loop3A_344 {add = true, strides = array<i32>} : memref<4096xf32, #tpu.memory_space<vmem>>, vector<16xf32>,
        %parallel_loop3A_351 = arith.index_cast %parallel_loop3A_312 : i32 to index
        %parallel_loop3A_352 = tpu.vector_load %arg10[%parallel_loop3A_351] {strides = array<i32>} : memref<4096xf32, #tpu.memory_space<vmem>>, vector<16xf32>,
        tpu.vector_store %arg10[%parallel_loop3A_351], %parallel_loop3A_345 {add = true, strides = array<i32>} : memref<4096xf32, #tpu.memory_space<vmem>>, vector<16xf32>,
        %parallel_loop3A_353 = arith.index_cast %parallel_loop3A_318 : i32 to index
        %parallel_loop3A_354 = tpu.vector_load %arg10[%parallel_loop3A_353] {strides = array<i32>} : memref<4096xf32, #tpu.memory_space<vmem>>, vector<16xf32>,
        tpu.vector_store %arg10[%parallel_loop3A_353], %parallel_loop3A_346 {add = true, strides = array<i32>} : memref<4096xf32, #tpu.memory_space<vmem>>, vector<16xf32>,
      } {sc.loop_unroll_factor = 2 : i64, sc.parallel_access}
      %dma_wait3A_60 = arith.constant 4 : i32
      %dma_wait3A_61 = arith.constant 0 : i32
      %dma_wait3A_62 = tpu.memref_slice %arg3[%shift_right_logical3A_11, %dma_wait3A_60, %dma_wait3A_61] : memref<26x20x4096xi32, #tpu.memory_space<hbm>> -> memref<1x1x4096xi32, #tpu.memory_space<hbm>>
      %dma_wait3A_63 = tpu.memref_squeeze %dma_wait3A_62 : memref<1x1x4096xi32, #tpu.memory_space<hbm>> -> memref<4096xi32, #tpu.memory_space<hbm>>
      %dma_wait3A_64 = arith.constant 0 : i32
      %dma_wait3A_65 = tpu.memref_slice %arg3[%shift_right_logical3A_11, %dma_wait3A_60, %dma_wait3A_64] : memref<26x20x4096xi32, #tpu.memory_space<hbm>> -> memref<1x1x4096xi32, #tpu.memory_space<hbm>>
      %dma_wait3A_66 = tpu.memref_squeeze %dma_wait3A_65 : memref<1x1x4096xi32, #tpu.memory_space<hbm>> -> memref<4096xi32, #tpu.memory_space<hbm>>
      tpu.wait_dma2 semaphore(%arg11 : memref<!tpu.dma_semaphore, #tpu.memory_space<semaphore_mem>>) src(%dma_wait3A_66 : memref<4096xi32, #tpu.memory_space<hbm>>) dst(%arg6 : memref<4096xi32, #tpu.memory_space<vmem>>)
      %dma_wait3A_67 = arith.constant 5 : i32
      %dma_wait3A_68 = arith.constant 0 : i32
      %dma_wait3A_69 = tpu.memref_slice %arg3[%shift_right_logical3A_11, %dma_wait3A_67, %dma_wait3A_68] : memref<26x20x4096xi32, #tpu.memory_space<hbm>> -> memref<1x1x4096xi32, #tpu.memory_space<hbm>>
      %dma_wait3A_70 = tpu.memref_squeeze %dma_wait3A_69 : memref<1x1x4096xi32, #tpu.memory_space<hbm>> -> memref<4096xi32, #tpu.memory_space<hbm>>
      %dma_wait3A_71 = arith.constant 0 : i32
      %dma_wait3A_72 = tpu.memref_slice %arg3[%shift_right_logical3A_11, %dma_wait3A_67, %dma_wait3A_71] : memref<26x20x4096xi32, #tpu.memory_space<hbm>> -> memref<1x1x4096xi32, #tpu.memory_space<hbm>>
      %dma_wait3A_73 = tpu.memref_squeeze %dma_wait3A_72 : memref<1x1x4096xi32, #tpu.memory_space<hbm>> -> memref<4096xi32, #tpu.memory_space<hbm>>
      tpu.wait_dma2 semaphore(%arg11 : memref<!tpu.dma_semaphore, #tpu.memory_space<semaphore_mem>>) src(%dma_wait3A_73 : memref<4096xi32, #tpu.memory_space<hbm>>) dst(%arg7 : memref<4096xi32, #tpu.memory_space<vmem>>)
      %dma_start3A_74 = arith.constant 6 : i32
      %dma_start3A_75 = arith.constant 0 : i32
      %dma_start3A_76 = tpu.memref_slice %arg3[%shift_right_logical3A_11, %dma_start3A_74, %dma_start3A_75] : memref<26x20x4096xi32, #tpu.memory_space<hbm>> -> memref<1x1x4096xi32, #tpu.memory_space<hbm>>
      %dma_start3A_77 = tpu.memref_squeeze %dma_start3A_76 : memref<1x1x4096xi32, #tpu.memory_space<hbm>> -> memref<4096xi32, #tpu.memory_space<hbm>>
      %dma_start3A_78 = arith.constant 0 : i32
      %dma_start3A_79 = tpu.memref_slice %arg3[%shift_right_logical3A_11, %dma_start3A_74, %dma_start3A_78] : memref<26x20x4096xi32, #tpu.memory_space<hbm>> -> memref<1x1x4096xi32, #tpu.memory_space<hbm>>
      %dma_start3A_80 = tpu.memref_squeeze %dma_start3A_79 : memref<1x1x4096xi32, #tpu.memory_space<hbm>> -> memref<4096xi32, #tpu.memory_space<hbm>>
      tpu.enqueue_dma source(%dma_start3A_80 : memref<4096xi32, #tpu.memory_space<hbm>>) target(%arg8 : memref<4096xi32, #tpu.memory_space<vmem>>) target_semaphore(%arg11 : memref<!tpu.dma_semaphore, #tpu.memory_space<semaphore_mem>>)
      %dma_start3A_81 = arith.constant 7 : i32
      %dma_start3A_82 = arith.constant 0 : i32
      %dma_start3A_83 = tpu.memref_slice %arg3[%shift_right_logical3A_11, %dma_start3A_81, %dma_start3A_82] : memref<26x20x4096xi32, #tpu.memory_space<hbm>> -> memref<1x1x4096xi32, #tpu.memory_space<hbm>>
      %dma_start3A_84 = tpu.memref_squeeze %dma_start3A_83 : memref<1x1x4096xi32, #tpu.memory_space<hbm>> -> memref<4096xi32, #tpu.memory_space<hbm>>
      %dma_start3A_85 = arith.constant 0 : i32
      %dma_start3A_86 = tpu.memref_slice %arg3[%shift_right_logical3A_11, %dma_start3A_81, %dma_start3A_85] : memref<26x20x4096xi32, #tpu.memory_space<hbm>> -> memref<1x1x4096xi32, #tpu.memory_space<hbm>>
      %dma_start3A_87 = tpu.memref_squeeze %dma_start3A_86 : memref<1x1x4096xi32, #tpu.memory_space<hbm>> -> memref<4096xi32, #tpu.memory_space<hbm>>
      tpu.enqueue_dma source(%dma_start3A_87 : memref<4096xi32, #tpu.memory_space<hbm>>) target(%arg9 : memref<4096xi32, #tpu.memory_space<vmem>>) target_semaphore(%arg11 : memref<!tpu.dma_semaphore, #tpu.memory_space<semaphore_mem>>)
      %parallel_loop3A_88 = arith.constant 0 : i32
      %parallel_loop3A_89 = arith.constant 64 : i32
      %parallel_loop3A_90 = arith.constant 1 : i32
      scf.for %parallel_loop3A_294 = %parallel_loop3A_88 to %parallel_loop3A_89 step %parallel_loop3A_90  : i32 {
        %parallel_loop3A_295 = arith.constant 4 : i32
        %parallel_loop3A_296 = arith.muli %parallel_loop3A_295, %parallel_loop3A_294 : i32
        %parallel_loop3A_297 = arith.constant 0 : i32
        %parallel_loop3A_298 = arith.addi %parallel_loop3A_296, %parallel_loop3A_297 : i32
        %parallel_loop3A_299 = arith.constant 16 : i32
        %parallel_loop3A_300 = arith.muli %parallel_loop3A_298, %parallel_loop3A_299 : i32
        %parallel_loop3A_301 = arith.constant 4 : i32
        %parallel_loop3A_302 = arith.muli %parallel_loop3A_301, %parallel_loop3A_294 : i32
        %parallel_loop3A_303 = arith.constant 1 : i32
        %parallel_loop3A_304 = arith.addi %parallel_loop3A_302, %parallel_loop3A_303 : i32
        %parallel_loop3A_305 = arith.constant 16 : i32
        %parallel_loop3A_306 = arith.muli %parallel_loop3A_304, %parallel_loop3A_305 : i32
        %parallel_loop3A_307 = arith.constant 4 : i32
        %parallel_loop3A_308 = arith.muli %parallel_loop3A_307, %parallel_loop3A_294 : i32
        %parallel_loop3A_309 = arith.constant 2 : i32
        %parallel_loop3A_310 = arith.addi %parallel_loop3A_308, %parallel_loop3A_309 : i32
        %parallel_loop3A_311 = arith.constant 16 : i32
        %parallel_loop3A_312 = arith.muli %parallel_loop3A_310, %parallel_loop3A_311 : i32
        %parallel_loop3A_313 = arith.constant 4 : i32
        %parallel_loop3A_314 = arith.muli %parallel_loop3A_313, %parallel_loop3A_294 : i32
        %parallel_loop3A_315 = arith.constant 3 : i32
        %parallel_loop3A_316 = arith.addi %parallel_loop3A_314, %parallel_loop3A_315 : i32
        %parallel_loop3A_317 = arith.constant 16 : i32
        %parallel_loop3A_318 = arith.muli %parallel_loop3A_316, %parallel_loop3A_317 : i32
        %parallel_loop3A_319 = arith.index_cast %parallel_loop3A_300 : i32 to index
        %parallel_loop3A_320 = tpu.vector_load %arg6[%parallel_loop3A_319] {strides = array<i32>} : memref<4096xi32, #tpu.memory_space<vmem>>, vector<16xi32>,
        %parallel_loop3A_321 = arith.index_cast %parallel_loop3A_306 : i32 to index
        %parallel_loop3A_322 = tpu.vector_load %arg6[%parallel_loop3A_321] {strides = array<i32>} : memref<4096xi32, #tpu.memory_space<vmem>>, vector<16xi32>,
        %parallel_loop3A_323 = arith.index_cast %parallel_loop3A_312 : i32 to index
        %parallel_loop3A_324 = tpu.vector_load %arg6[%parallel_loop3A_323] {strides = array<i32>} : memref<4096xi32, #tpu.memory_space<vmem>>, vector<16xi32>,
        %parallel_loop3A_325 = arith.index_cast %parallel_loop3A_318 : i32 to index
        %parallel_loop3A_326 = tpu.vector_load %arg6[%parallel_loop3A_325] {strides = array<i32>} : memref<4096xi32, #tpu.memory_space<vmem>>, vector<16xi32>,
        %parallel_loop3A_327 = arith.index_cast %parallel_loop3A_300 : i32 to index
        %parallel_loop3A_328 = tpu.vector_load %arg7[%parallel_loop3A_327] {strides = array<i32>} : memref<4096xi32, #tpu.memory_space<vmem>>, vector<16xi32>,
        %parallel_loop3A_329 = arith.index_cast %parallel_loop3A_306 : i32 to index
        %parallel_loop3A_330 = tpu.vector_load %arg7[%parallel_loop3A_329] {strides = array<i32>} : memref<4096xi32, #tpu.memory_space<vmem>>, vector<16xi32>,
        %parallel_loop3A_331 = arith.index_cast %parallel_loop3A_312 : i32 to index
        %parallel_loop3A_332 = tpu.vector_load %arg7[%parallel_loop3A_331] {strides = array<i32>} : memref<4096xi32, #tpu.memory_space<vmem>>, vector<16xi32>,
        %parallel_loop3A_333 = arith.index_cast %parallel_loop3A_318 : i32 to index
        %parallel_loop3A_334 = tpu.vector_load %arg7[%parallel_loop3A_333] {strides = array<i32>} : memref<4096xi32, #tpu.memory_space<vmem>>, vector<16xi32>,
        %parallel_loop3A_335 = tpu.vector_load_idx %arg5[%parallel_loop3A_320] : memref<100000xf32, #tpu.memory_space<vmem>>[vector<16xi32>], vector<16xf32>,
        %parallel_loop3A_336 = tpu.vector_load_idx %arg5[%parallel_loop3A_322] : memref<100000xf32, #tpu.memory_space<vmem>>[vector<16xi32>], vector<16xf32>,
        %parallel_loop3A_337 = tpu.vector_load_idx %arg5[%parallel_loop3A_324] : memref<100000xf32, #tpu.memory_space<vmem>>[vector<16xi32>], vector<16xf32>,
        %parallel_loop3A_338 = tpu.vector_load_idx %arg5[%parallel_loop3A_326] : memref<100000xf32, #tpu.memory_space<vmem>>[vector<16xi32>], vector<16xf32>,
        %parallel_loop3A_339 = tpu.vector_load_idx %arg5[%parallel_loop3A_328] : memref<100000xf32, #tpu.memory_space<vmem>>[vector<16xi32>], vector<16xf32>,
        %parallel_loop3A_340 = tpu.vector_load_idx %arg5[%parallel_loop3A_330] : memref<100000xf32, #tpu.memory_space<vmem>>[vector<16xi32>], vector<16xf32>,
        %parallel_loop3A_341 = tpu.vector_load_idx %arg5[%parallel_loop3A_332] : memref<100000xf32, #tpu.memory_space<vmem>>[vector<16xi32>], vector<16xf32>,
        %parallel_loop3A_342 = tpu.vector_load_idx %arg5[%parallel_loop3A_334] : memref<100000xf32, #tpu.memory_space<vmem>>[vector<16xi32>], vector<16xf32>,
        %parallel_loop3A_343 = arith.addf %parallel_loop3A_335, %parallel_loop3A_339 : vector<16xf32>
        %parallel_loop3A_344 = arith.addf %parallel_loop3A_336, %parallel_loop3A_340 : vector<16xf32>
        %parallel_loop3A_345 = arith.addf %parallel_loop3A_337, %parallel_loop3A_341 : vector<16xf32>
        %parallel_loop3A_346 = arith.addf %parallel_loop3A_338, %parallel_loop3A_342 : vector<16xf32>
        %parallel_loop3A_347 = arith.index_cast %parallel_loop3A_300 : i32 to index
        %parallel_loop3A_348 = tpu.vector_load %arg10[%parallel_loop3A_347] {strides = array<i32>} : memref<4096xf32, #tpu.memory_space<vmem>>, vector<16xf32>,
        tpu.vector_store %arg10[%parallel_loop3A_347], %parallel_loop3A_343 {add = true, strides = array<i32>} : memref<4096xf32, #tpu.memory_space<vmem>>, vector<16xf32>,
        %parallel_loop3A_349 = arith.index_cast %parallel_loop3A_306 : i32 to index
        %parallel_loop3A_350 = tpu.vector_load %arg10[%parallel_loop3A_349] {strides = array<i32>} : memref<4096xf32, #tpu.memory_space<vmem>>, vector<16xf32>,
        tpu.vector_store %arg10[%parallel_loop3A_349], %parallel_loop3A_344 {add = true, strides = array<i32>} : memref<4096xf32, #tpu.memory_space<vmem>>, vector<16xf32>,
        %parallel_loop3A_351 = arith.index_cast %parallel_loop3A_312 : i32 to index
        %parallel_loop3A_352 = tpu.vector_load %arg10[%parallel_loop3A_351] {strides = array<i32>} : memref<4096xf32, #tpu.memory_space<vmem>>, vector<16xf32>,
        tpu.vector_store %arg10[%parallel_loop3A_351], %parallel_loop3A_345 {add = true, strides = array<i32>} : memref<4096xf32, #tpu.memory_space<vmem>>, vector<16xf32>,
        %parallel_loop3A_353 = arith.index_cast %parallel_loop3A_318 : i32 to index
        %parallel_loop3A_354 = tpu.vector_load %arg10[%parallel_loop3A_353] {strides = array<i32>} : memref<4096xf32, #tpu.memory_space<vmem>>, vector<16xf32>,
        tpu.vector_store %arg10[%parallel_loop3A_353], %parallel_loop3A_346 {add = true, strides = array<i32>} : memref<4096xf32, #tpu.memory_space<vmem>>, vector<16xf32>,
      } {sc.loop_unroll_factor = 2 : i64, sc.parallel_access}
      %dma_wait3A_91 = arith.constant 6 : i32
      %dma_wait3A_92 = arith.constant 0 : i32
      %dma_wait3A_93 = tpu.memref_slice %arg3[%shift_right_logical3A_11, %dma_wait3A_91, %dma_wait3A_92] : memref<26x20x4096xi32, #tpu.memory_space<hbm>> -> memref<1x1x4096xi32, #tpu.memory_space<hbm>>
      %dma_wait3A_94 = tpu.memref_squeeze %dma_wait3A_93 : memref<1x1x4096xi32, #tpu.memory_space<hbm>> -> memref<4096xi32, #tpu.memory_space<hbm>>
      %dma_wait3A_95 = arith.constant 0 : i32
      %dma_wait3A_96 = tpu.memref_slice %arg3[%shift_right_logical3A_11, %dma_wait3A_91, %dma_wait3A_95] : memref<26x20x4096xi32, #tpu.memory_space<hbm>> -> memref<1x1x4096xi32, #tpu.memory_space<hbm>>
      %dma_wait3A_97 = tpu.memref_squeeze %dma_wait3A_96 : memref<1x1x4096xi32, #tpu.memory_space<hbm>> -> memref<4096xi32, #tpu.memory_space<hbm>>
      tpu.wait_dma2 semaphore(%arg11 : memref<!tpu.dma_semaphore, #tpu.memory_space<semaphore_mem>>) src(%dma_wait3A_97 : memref<4096xi32, #tpu.memory_space<hbm>>) dst(%arg8 : memref<4096xi32, #tpu.memory_space<vmem>>)
      %dma_wait3A_98 = arith.constant 7 : i32
      %dma_wait3A_99 = arith.constant 0 : i32
      %dma_wait3A_100 = tpu.memref_slice %arg3[%shift_right_logical3A_11, %dma_wait3A_98, %dma_wait3A_99] : memref<26x20x4096xi32, #tpu.memory_space<hbm>> -> memref<1x1x4096xi32, #tpu.memory_space<hbm>>
      %dma_wait3A_101 = tpu.memref_squeeze %dma_wait3A_100 : memref<1x1x4096xi32, #tpu.memory_space<hbm>> -> memref<4096xi32, #tpu.memory_space<hbm>>
      %dma_wait3A_102 = arith.constant 0 : i32
      %dma_wait3A_103 = tpu.memref_slice %arg3[%shift_right_logical3A_11, %dma_wait3A_98, %dma_wait3A_102] : memref<26x20x4096xi32, #tpu.memory_space<hbm>> -> memref<1x1x4096xi32, #tpu.memory_space<hbm>>
      %dma_wait3A_104 = tpu.memref_squeeze %dma_wait3A_103 : memref<1x1x4096xi32, #tpu.memory_space<hbm>> -> memref<4096xi32, #tpu.memory_space<hbm>>
      tpu.wait_dma2 semaphore(%arg11 : memref<!tpu.dma_semaphore, #tpu.memory_space<semaphore_mem>>) src(%dma_wait3A_104 : memref<4096xi32, #tpu.memory_space<hbm>>) dst(%arg9 : memref<4096xi32, #tpu.memory_space<vmem>>)
      %dma_start3A_105 = arith.constant 8 : i32
      %dma_start3A_106 = arith.constant 0 : i32
      %dma_start3A_107 = tpu.memref_slice %arg3[%shift_right_logical3A_11, %dma_start3A_105, %dma_start3A_106] : memref<26x20x4096xi32, #tpu.memory_space<hbm>> -> memref<1x1x4096xi32, #tpu.memory_space<hbm>>
      %dma_start3A_108 = tpu.memref_squeeze %dma_start3A_107 : memref<1x1x4096xi32, #tpu.memory_space<hbm>> -> memref<4096xi32, #tpu.memory_space<hbm>>
      %dma_start3A_109 = arith.constant 0 : i32
      %dma_start3A_110 = tpu.memref_slice %arg3[%shift_right_logical3A_11, %dma_start3A_105, %dma_start3A_109] : memref<26x20x4096xi32, #tpu.memory_space<hbm>> -> memref<1x1x4096xi32, #tpu.memory_space<hbm>>
      %dma_start3A_111 = tpu.memref_squeeze %dma_start3A_110 : memref<1x1x4096xi32, #tpu.memory_space<hbm>> -> memref<4096xi32, #tpu.memory_space<hbm>>
      tpu.enqueue_dma source(%dma_start3A_111 : memref<4096xi32, #tpu.memory_space<hbm>>) target(%arg6 : memref<4096xi32, #tpu.memory_space<vmem>>) target_semaphore(%arg11 : memref<!tpu.dma_semaphore, #tpu.memory_space<semaphore_mem>>)
      %dma_start3A_112 = arith.constant 9 : i32
      %dma_start3A_113 = arith.constant 0 : i32
      %dma_start3A_114 = tpu.memref_slice %arg3[%shift_right_logical3A_11, %dma_start3A_112, %dma_start3A_113] : memref<26x20x4096xi32, #tpu.memory_space<hbm>> -> memref<1x1x4096xi32, #tpu.memory_space<hbm>>
      %dma_start3A_115 = tpu.memref_squeeze %dma_start3A_114 : memref<1x1x4096xi32, #tpu.memory_space<hbm>> -> memref<4096xi32, #tpu.memory_space<hbm>>
      %dma_start3A_116 = arith.constant 0 : i32
      %dma_start3A_117 = tpu.memref_slice %arg3[%shift_right_logical3A_11, %dma_start3A_112, %dma_start3A_116] : memref<26x20x4096xi32, #tpu.memory_space<hbm>> -> memref<1x1x4096xi32, #tpu.memory_space<hbm>>
      %dma_start3A_118 = tpu.memref_squeeze %dma_start3A_117 : memref<1x1x4096xi32, #tpu.memory_space<hbm>> -> memref<4096xi32, #tpu.memory_space<hbm>>
      tpu.enqueue_dma source(%dma_start3A_118 : memref<4096xi32, #tpu.memory_space<hbm>>) target(%arg7 : memref<4096xi32, #tpu.memory_space<vmem>>) target_semaphore(%arg11 : memref<!tpu.dma_semaphore, #tpu.memory_space<semaphore_mem>>)
      %parallel_loop3A_119 = arith.constant 0 : i32
      %parallel_loop3A_120 = arith.constant 64 : i32
      %parallel_loop3A_121 = arith.constant 1 : i32
      scf.for %parallel_loop3A_294 = %parallel_loop3A_119 to %parallel_loop3A_120 step %parallel_loop3A_121  : i32 {
        %parallel_loop3A_295 = arith.constant 4 : i32
        %parallel_loop3A_296 = arith.muli %parallel_loop3A_295, %parallel_loop3A_294 : i32
        %parallel_loop3A_297 = arith.constant 0 : i32
        %parallel_loop3A_298 = arith.addi %parallel_loop3A_296, %parallel_loop3A_297 : i32
        %parallel_loop3A_299 = arith.constant 16 : i32
        %parallel_loop3A_300 = arith.muli %parallel_loop3A_298, %parallel_loop3A_299 : i32
        %parallel_loop3A_301 = arith.constant 4 : i32
        %parallel_loop3A_302 = arith.muli %parallel_loop3A_301, %parallel_loop3A_294 : i32
        %parallel_loop3A_303 = arith.constant 1 : i32
        %parallel_loop3A_304 = arith.addi %parallel_loop3A_302, %parallel_loop3A_303 : i32
        %parallel_loop3A_305 = arith.constant 16 : i32
        %parallel_loop3A_306 = arith.muli %parallel_loop3A_304, %parallel_loop3A_305 : i32
        %parallel_loop3A_307 = arith.constant 4 : i32
        %parallel_loop3A_308 = arith.muli %parallel_loop3A_307, %parallel_loop3A_294 : i32
        %parallel_loop3A_309 = arith.constant 2 : i32
        %parallel_loop3A_310 = arith.addi %parallel_loop3A_308, %parallel_loop3A_309 : i32
        %parallel_loop3A_311 = arith.constant 16 : i32
        %parallel_loop3A_312 = arith.muli %parallel_loop3A_310, %parallel_loop3A_311 : i32
        %parallel_loop3A_313 = arith.constant 4 : i32
        %parallel_loop3A_314 = arith.muli %parallel_loop3A_313, %parallel_loop3A_294 : i32
        %parallel_loop3A_315 = arith.constant 3 : i32
        %parallel_loop3A_316 = arith.addi %parallel_loop3A_314, %parallel_loop3A_315 : i32
        %parallel_loop3A_317 = arith.constant 16 : i32
        %parallel_loop3A_318 = arith.muli %parallel_loop3A_316, %parallel_loop3A_317 : i32
        %parallel_loop3A_319 = arith.index_cast %parallel_loop3A_300 : i32 to index
        %parallel_loop3A_320 = tpu.vector_load %arg8[%parallel_loop3A_319] {strides = array<i32>} : memref<4096xi32, #tpu.memory_space<vmem>>, vector<16xi32>,
        %parallel_loop3A_321 = arith.index_cast %parallel_loop3A_306 : i32 to index
        %parallel_loop3A_322 = tpu.vector_load %arg8[%parallel_loop3A_321] {strides = array<i32>} : memref<4096xi32, #tpu.memory_space<vmem>>, vector<16xi32>,
        %parallel_loop3A_323 = arith.index_cast %parallel_loop3A_312 : i32 to index
        %parallel_loop3A_324 = tpu.vector_load %arg8[%parallel_loop3A_323] {strides = array<i32>} : memref<4096xi32, #tpu.memory_space<vmem>>, vector<16xi32>,
        %parallel_loop3A_325 = arith.index_cast %parallel_loop3A_318 : i32 to index
        %parallel_loop3A_326 = tpu.vector_load %arg8[%parallel_loop3A_325] {strides = array<i32>} : memref<4096xi32, #tpu.memory_space<vmem>>, vector<16xi32>,
        %parallel_loop3A_327 = arith.index_cast %parallel_loop3A_300 : i32 to index
        %parallel_loop3A_328 = tpu.vector_load %arg9[%parallel_loop3A_327] {strides = array<i32>} : memref<4096xi32, #tpu.memory_space<vmem>>, vector<16xi32>,
        %parallel_loop3A_329 = arith.index_cast %parallel_loop3A_306 : i32 to index
        %parallel_loop3A_330 = tpu.vector_load %arg9[%parallel_loop3A_329] {strides = array<i32>} : memref<4096xi32, #tpu.memory_space<vmem>>, vector<16xi32>,
        %parallel_loop3A_331 = arith.index_cast %parallel_loop3A_312 : i32 to index
        %parallel_loop3A_332 = tpu.vector_load %arg9[%parallel_loop3A_331] {strides = array<i32>} : memref<4096xi32, #tpu.memory_space<vmem>>, vector<16xi32>,
        %parallel_loop3A_333 = arith.index_cast %parallel_loop3A_318 : i32 to index
        %parallel_loop3A_334 = tpu.vector_load %arg9[%parallel_loop3A_333] {strides = array<i32>} : memref<4096xi32, #tpu.memory_space<vmem>>, vector<16xi32>,
        %parallel_loop3A_335 = tpu.vector_load_idx %arg5[%parallel_loop3A_320] : memref<100000xf32, #tpu.memory_space<vmem>>[vector<16xi32>], vector<16xf32>,
        %parallel_loop3A_336 = tpu.vector_load_idx %arg5[%parallel_loop3A_322] : memref<100000xf32, #tpu.memory_space<vmem>>[vector<16xi32>], vector<16xf32>,
        %parallel_loop3A_337 = tpu.vector_load_idx %arg5[%parallel_loop3A_324] : memref<100000xf32, #tpu.memory_space<vmem>>[vector<16xi32>], vector<16xf32>,
        %parallel_loop3A_338 = tpu.vector_load_idx %arg5[%parallel_loop3A_326] : memref<100000xf32, #tpu.memory_space<vmem>>[vector<16xi32>], vector<16xf32>,
        %parallel_loop3A_339 = tpu.vector_load_idx %arg5[%parallel_loop3A_328] : memref<100000xf32, #tpu.memory_space<vmem>>[vector<16xi32>], vector<16xf32>,
        %parallel_loop3A_340 = tpu.vector_load_idx %arg5[%parallel_loop3A_330] : memref<100000xf32, #tpu.memory_space<vmem>>[vector<16xi32>], vector<16xf32>,
        %parallel_loop3A_341 = tpu.vector_load_idx %arg5[%parallel_loop3A_332] : memref<100000xf32, #tpu.memory_space<vmem>>[vector<16xi32>], vector<16xf32>,
        %parallel_loop3A_342 = tpu.vector_load_idx %arg5[%parallel_loop3A_334] : memref<100000xf32, #tpu.memory_space<vmem>>[vector<16xi32>], vector<16xf32>,
        %parallel_loop3A_343 = arith.addf %parallel_loop3A_335, %parallel_loop3A_339 : vector<16xf32>
        %parallel_loop3A_344 = arith.addf %parallel_loop3A_336, %parallel_loop3A_340 : vector<16xf32>
        %parallel_loop3A_345 = arith.addf %parallel_loop3A_337, %parallel_loop3A_341 : vector<16xf32>
        %parallel_loop3A_346 = arith.addf %parallel_loop3A_338, %parallel_loop3A_342 : vector<16xf32>
        %parallel_loop3A_347 = arith.index_cast %parallel_loop3A_300 : i32 to index
        %parallel_loop3A_348 = tpu.vector_load %arg10[%parallel_loop3A_347] {strides = array<i32>} : memref<4096xf32, #tpu.memory_space<vmem>>, vector<16xf32>,
        tpu.vector_store %arg10[%parallel_loop3A_347], %parallel_loop3A_343 {add = true, strides = array<i32>} : memref<4096xf32, #tpu.memory_space<vmem>>, vector<16xf32>,
        %parallel_loop3A_349 = arith.index_cast %parallel_loop3A_306 : i32 to index
        %parallel_loop3A_350 = tpu.vector_load %arg10[%parallel_loop3A_349] {strides = array<i32>} : memref<4096xf32, #tpu.memory_space<vmem>>, vector<16xf32>,
        tpu.vector_store %arg10[%parallel_loop3A_349], %parallel_loop3A_344 {add = true, strides = array<i32>} : memref<4096xf32, #tpu.memory_space<vmem>>, vector<16xf32>,
        %parallel_loop3A_351 = arith.index_cast %parallel_loop3A_312 : i32 to index
        %parallel_loop3A_352 = tpu.vector_load %arg10[%parallel_loop3A_351] {strides = array<i32>} : memref<4096xf32, #tpu.memory_space<vmem>>, vector<16xf32>,
        tpu.vector_store %arg10[%parallel_loop3A_351], %parallel_loop3A_345 {add = true, strides = array<i32>} : memref<4096xf32, #tpu.memory_space<vmem>>, vector<16xf32>,
        %parallel_loop3A_353 = arith.index_cast %parallel_loop3A_318 : i32 to index
        %parallel_loop3A_354 = tpu.vector_load %arg10[%parallel_loop3A_353] {strides = array<i32>} : memref<4096xf32, #tpu.memory_space<vmem>>, vector<16xf32>,
        tpu.vector_store %arg10[%parallel_loop3A_353], %parallel_loop3A_346 {add = true, strides = array<i32>} : memref<4096xf32, #tpu.memory_space<vmem>>, vector<16xf32>,
      } {sc.loop_unroll_factor = 2 : i64, sc.parallel_access}
      %dma_wait3A_122 = arith.constant 8 : i32
      %dma_wait3A_123 = arith.constant 0 : i32
      %dma_wait3A_124 = tpu.memref_slice %arg3[%shift_right_logical3A_11, %dma_wait3A_122, %dma_wait3A_123] : memref<26x20x4096xi32, #tpu.memory_space<hbm>> -> memref<1x1x4096xi32, #tpu.memory_space<hbm>>
      %dma_wait3A_125 = tpu.memref_squeeze %dma_wait3A_124 : memref<1x1x4096xi32, #tpu.memory_space<hbm>> -> memref<4096xi32, #tpu.memory_space<hbm>>
      %dma_wait3A_126 = arith.constant 0 : i32
      %dma_wait3A_127 = tpu.memref_slice %arg3[%shift_right_logical3A_11, %dma_wait3A_122, %dma_wait3A_126] : memref<26x20x4096xi32, #tpu.memory_space<hbm>> -> memref<1x1x4096xi32, #tpu.memory_space<hbm>>
      %dma_wait3A_128 = tpu.memref_squeeze %dma_wait3A_127 : memref<1x1x4096xi32, #tpu.memory_space<hbm>> -> memref<4096xi32, #tpu.memory_space<hbm>>
      tpu.wait_dma2 semaphore(%arg11 : memref<!tpu.dma_semaphore, #tpu.memory_space<semaphore_mem>>) src(%dma_wait3A_128 : memref<4096xi32, #tpu.memory_space<hbm>>) dst(%arg6 : memref<4096xi32, #tpu.memory_space<vmem>>)
      %dma_wait3A_129 = arith.constant 9 : i32
      %dma_wait3A_130 = arith.constant 0 : i32
      %dma_wait3A_131 = tpu.memref_slice %arg3[%shift_right_logical3A_11, %dma_wait3A_129, %dma_wait3A_130] : memref<26x20x4096xi32, #tpu.memory_space<hbm>> -> memref<1x1x4096xi32, #tpu.memory_space<hbm>>
      %dma_wait3A_132 = tpu.memref_squeeze %dma_wait3A_131 : memref<1x1x4096xi32, #tpu.memory_space<hbm>> -> memref<4096xi32, #tpu.memory_space<hbm>>
      %dma_wait3A_133 = arith.constant 0 : i32
      %dma_wait3A_134 = tpu.memref_slice %arg3[%shift_right_logical3A_11, %dma_wait3A_129, %dma_wait3A_133] : memref<26x20x4096xi32, #tpu.memory_space<hbm>> -> memref<1x1x4096xi32, #tpu.memory_space<hbm>>
      %dma_wait3A_135 = tpu.memref_squeeze %dma_wait3A_134 : memref<1x1x4096xi32, #tpu.memory_space<hbm>> -> memref<4096xi32, #tpu.memory_space<hbm>>
      tpu.wait_dma2 semaphore(%arg11 : memref<!tpu.dma_semaphore, #tpu.memory_space<semaphore_mem>>) src(%dma_wait3A_135 : memref<4096xi32, #tpu.memory_space<hbm>>) dst(%arg7 : memref<4096xi32, #tpu.memory_space<vmem>>)
      %dma_start3A_136 = arith.constant 10 : i32
      %dma_start3A_137 = arith.constant 0 : i32
      %dma_start3A_138 = tpu.memref_slice %arg3[%shift_right_logical3A_11, %dma_start3A_136, %dma_start3A_137] : memref<26x20x4096xi32, #tpu.memory_space<hbm>> -> memref<1x1x4096xi32, #tpu.memory_space<hbm>>
      %dma_start3A_139 = tpu.memref_squeeze %dma_start3A_138 : memref<1x1x4096xi32, #tpu.memory_space<hbm>> -> memref<4096xi32, #tpu.memory_space<hbm>>
      %dma_start3A_140 = arith.constant 0 : i32
      %dma_start3A_141 = tpu.memref_slice %arg3[%shift_right_logical3A_11, %dma_start3A_136, %dma_start3A_140] : memref<26x20x4096xi32, #tpu.memory_space<hbm>> -> memref<1x1x4096xi32, #tpu.memory_space<hbm>>
      %dma_start3A_142 = tpu.memref_squeeze %dma_start3A_141 : memref<1x1x4096xi32, #tpu.memory_space<hbm>> -> memref<4096xi32, #tpu.memory_space<hbm>>
      tpu.enqueue_dma source(%dma_start3A_142 : memref<4096xi32, #tpu.memory_space<hbm>>) target(%arg8 : memref<4096xi32, #tpu.memory_space<vmem>>) target_semaphore(%arg11 : memref<!tpu.dma_semaphore, #tpu.memory_space<semaphore_mem>>)
      %dma_start3A_143 = arith.constant 11 : i32
      %dma_start3A_144 = arith.constant 0 : i32
      %dma_start3A_145 = tpu.memref_slice %arg3[%shift_right_logical3A_11, %dma_start3A_143, %dma_start3A_144] : memref<26x20x4096xi32, #tpu.memory_space<hbm>> -> memref<1x1x4096xi32, #tpu.memory_space<hbm>>
      %dma_start3A_146 = tpu.memref_squeeze %dma_start3A_145 : memref<1x1x4096xi32, #tpu.memory_space<hbm>> -> memref<4096xi32, #tpu.memory_space<hbm>>
      %dma_start3A_147 = arith.constant 0 : i32
      %dma_start3A_148 = tpu.memref_slice %arg3[%shift_right_logical3A_11, %dma_start3A_143, %dma_start3A_147] : memref<26x20x4096xi32, #tpu.memory_space<hbm>> -> memref<1x1x4096xi32, #tpu.memory_space<hbm>>
      %dma_start3A_149 = tpu.memref_squeeze %dma_start3A_148 : memref<1x1x4096xi32, #tpu.memory_space<hbm>> -> memref<4096xi32, #tpu.memory_space<hbm>>
      tpu.enqueue_dma source(%dma_start3A_149 : memref<4096xi32, #tpu.memory_space<hbm>>) target(%arg9 : memref<4096xi32, #tpu.memory_space<vmem>>) target_semaphore(%arg11 : memref<!tpu.dma_semaphore, #tpu.memory_space<semaphore_mem>>)
      %parallel_loop3A_150 = arith.constant 0 : i32
      %parallel_loop3A_151 = arith.constant 64 : i32
      %parallel_loop3A_152 = arith.constant 1 : i32
      scf.for %parallel_loop3A_294 = %parallel_loop3A_150 to %parallel_loop3A_151 step %parallel_loop3A_152  : i32 {
        %parallel_loop3A_295 = arith.constant 4 : i32
        %parallel_loop3A_296 = arith.muli %parallel_loop3A_295, %parallel_loop3A_294 : i32
        %parallel_loop3A_297 = arith.constant 0 : i32
        %parallel_loop3A_298 = arith.addi %parallel_loop3A_296, %parallel_loop3A_297 : i32
        %parallel_loop3A_299 = arith.constant 16 : i32
        %parallel_loop3A_300 = arith.muli %parallel_loop3A_298, %parallel_loop3A_299 : i32
        %parallel_loop3A_301 = arith.constant 4 : i32
        %parallel_loop3A_302 = arith.muli %parallel_loop3A_301, %parallel_loop3A_294 : i32
        %parallel_loop3A_303 = arith.constant 1 : i32
        %parallel_loop3A_304 = arith.addi %parallel_loop3A_302, %parallel_loop3A_303 : i32
        %parallel_loop3A_305 = arith.constant 16 : i32
        %parallel_loop3A_306 = arith.muli %parallel_loop3A_304, %parallel_loop3A_305 : i32
        %parallel_loop3A_307 = arith.constant 4 : i32
        %parallel_loop3A_308 = arith.muli %parallel_loop3A_307, %parallel_loop3A_294 : i32
        %parallel_loop3A_309 = arith.constant 2 : i32
        %parallel_loop3A_310 = arith.addi %parallel_loop3A_308, %parallel_loop3A_309 : i32
        %parallel_loop3A_311 = arith.constant 16 : i32
        %parallel_loop3A_312 = arith.muli %parallel_loop3A_310, %parallel_loop3A_311 : i32
        %parallel_loop3A_313 = arith.constant 4 : i32
        %parallel_loop3A_314 = arith.muli %parallel_loop3A_313, %parallel_loop3A_294 : i32
        %parallel_loop3A_315 = arith.constant 3 : i32
        %parallel_loop3A_316 = arith.addi %parallel_loop3A_314, %parallel_loop3A_315 : i32
        %parallel_loop3A_317 = arith.constant 16 : i32
        %parallel_loop3A_318 = arith.muli %parallel_loop3A_316, %parallel_loop3A_317 : i32
        %parallel_loop3A_319 = arith.index_cast %parallel_loop3A_300 : i32 to index
        %parallel_loop3A_320 = tpu.vector_load %arg6[%parallel_loop3A_319] {strides = array<i32>} : memref<4096xi32, #tpu.memory_space<vmem>>, vector<16xi32>,
        %parallel_loop3A_321 = arith.index_cast %parallel_loop3A_306 : i32 to index
        %parallel_loop3A_322 = tpu.vector_load %arg6[%parallel_loop3A_321] {strides = array<i32>} : memref<4096xi32, #tpu.memory_space<vmem>>, vector<16xi32>,
        %parallel_loop3A_323 = arith.index_cast %parallel_loop3A_312 : i32 to index
        %parallel_loop3A_324 = tpu.vector_load %arg6[%parallel_loop3A_323] {strides = array<i32>} : memref<4096xi32, #tpu.memory_space<vmem>>, vector<16xi32>,
        %parallel_loop3A_325 = arith.index_cast %parallel_loop3A_318 : i32 to index
        %parallel_loop3A_326 = tpu.vector_load %arg6[%parallel_loop3A_325] {strides = array<i32>} : memref<4096xi32, #tpu.memory_space<vmem>>, vector<16xi32>,
        %parallel_loop3A_327 = arith.index_cast %parallel_loop3A_300 : i32 to index
        %parallel_loop3A_328 = tpu.vector_load %arg7[%parallel_loop3A_327] {strides = array<i32>} : memref<4096xi32, #tpu.memory_space<vmem>>, vector<16xi32>,
        %parallel_loop3A_329 = arith.index_cast %parallel_loop3A_306 : i32 to index
        %parallel_loop3A_330 = tpu.vector_load %arg7[%parallel_loop3A_329] {strides = array<i32>} : memref<4096xi32, #tpu.memory_space<vmem>>, vector<16xi32>,
        %parallel_loop3A_331 = arith.index_cast %parallel_loop3A_312 : i32 to index
        %parallel_loop3A_332 = tpu.vector_load %arg7[%parallel_loop3A_331] {strides = array<i32>} : memref<4096xi32, #tpu.memory_space<vmem>>, vector<16xi32>,
        %parallel_loop3A_333 = arith.index_cast %parallel_loop3A_318 : i32 to index
        %parallel_loop3A_334 = tpu.vector_load %arg7[%parallel_loop3A_333] {strides = array<i32>} : memref<4096xi32, #tpu.memory_space<vmem>>, vector<16xi32>,
        %parallel_loop3A_335 = tpu.vector_load_idx %arg5[%parallel_loop3A_320] : memref<100000xf32, #tpu.memory_space<vmem>>[vector<16xi32>], vector<16xf32>,
        %parallel_loop3A_336 = tpu.vector_load_idx %arg5[%parallel_loop3A_322] : memref<100000xf32, #tpu.memory_space<vmem>>[vector<16xi32>], vector<16xf32>,
        %parallel_loop3A_337 = tpu.vector_load_idx %arg5[%parallel_loop3A_324] : memref<100000xf32, #tpu.memory_space<vmem>>[vector<16xi32>], vector<16xf32>,
        %parallel_loop3A_338 = tpu.vector_load_idx %arg5[%parallel_loop3A_326] : memref<100000xf32, #tpu.memory_space<vmem>>[vector<16xi32>], vector<16xf32>,
        %parallel_loop3A_339 = tpu.vector_load_idx %arg5[%parallel_loop3A_328] : memref<100000xf32, #tpu.memory_space<vmem>>[vector<16xi32>], vector<16xf32>,
        %parallel_loop3A_340 = tpu.vector_load_idx %arg5[%parallel_loop3A_330] : memref<100000xf32, #tpu.memory_space<vmem>>[vector<16xi32>], vector<16xf32>,
        %parallel_loop3A_341 = tpu.vector_load_idx %arg5[%parallel_loop3A_332] : memref<100000xf32, #tpu.memory_space<vmem>>[vector<16xi32>], vector<16xf32>,
        %parallel_loop3A_342 = tpu.vector_load_idx %arg5[%parallel_loop3A_334] : memref<100000xf32, #tpu.memory_space<vmem>>[vector<16xi32>], vector<16xf32>,
        %parallel_loop3A_343 = arith.addf %parallel_loop3A_335, %parallel_loop3A_339 : vector<16xf32>
        %parallel_loop3A_344 = arith.addf %parallel_loop3A_336, %parallel_loop3A_340 : vector<16xf32>
        %parallel_loop3A_345 = arith.addf %parallel_loop3A_337, %parallel_loop3A_341 : vector<16xf32>
        %parallel_loop3A_346 = arith.addf %parallel_loop3A_338, %parallel_loop3A_342 : vector<16xf32>
        %parallel_loop3A_347 = arith.index_cast %parallel_loop3A_300 : i32 to index
        %parallel_loop3A_348 = tpu.vector_load %arg10[%parallel_loop3A_347] {strides = array<i32>} : memref<4096xf32, #tpu.memory_space<vmem>>, vector<16xf32>,
        tpu.vector_store %arg10[%parallel_loop3A_347], %parallel_loop3A_343 {add = true, strides = array<i32>} : memref<4096xf32, #tpu.memory_space<vmem>>, vector<16xf32>,
        %parallel_loop3A_349 = arith.index_cast %parallel_loop3A_306 : i32 to index
        %parallel_loop3A_350 = tpu.vector_load %arg10[%parallel_loop3A_349] {strides = array<i32>} : memref<4096xf32, #tpu.memory_space<vmem>>, vector<16xf32>,
        tpu.vector_store %arg10[%parallel_loop3A_349], %parallel_loop3A_344 {add = true, strides = array<i32>} : memref<4096xf32, #tpu.memory_space<vmem>>, vector<16xf32>,
        %parallel_loop3A_351 = arith.index_cast %parallel_loop3A_312 : i32 to index
        %parallel_loop3A_352 = tpu.vector_load %arg10[%parallel_loop3A_351] {strides = array<i32>} : memref<4096xf32, #tpu.memory_space<vmem>>, vector<16xf32>,
        tpu.vector_store %arg10[%parallel_loop3A_351], %parallel_loop3A_345 {add = true, strides = array<i32>} : memref<4096xf32, #tpu.memory_space<vmem>>, vector<16xf32>,
        %parallel_loop3A_353 = arith.index_cast %parallel_loop3A_318 : i32 to index
        %parallel_loop3A_354 = tpu.vector_load %arg10[%parallel_loop3A_353] {strides = array<i32>} : memref<4096xf32, #tpu.memory_space<vmem>>, vector<16xf32>,
        tpu.vector_store %arg10[%parallel_loop3A_353], %parallel_loop3A_346 {add = true, strides = array<i32>} : memref<4096xf32, #tpu.memory_space<vmem>>, vector<16xf32>,
      } {sc.loop_unroll_factor = 2 : i64, sc.parallel_access}
      %dma_wait3A_153 = arith.constant 10 : i32
      %dma_wait3A_154 = arith.constant 0 : i32
      %dma_wait3A_155 = tpu.memref_slice %arg3[%shift_right_logical3A_11, %dma_wait3A_153, %dma_wait3A_154] : memref<26x20x4096xi32, #tpu.memory_space<hbm>> -> memref<1x1x4096xi32, #tpu.memory_space<hbm>>
      %dma_wait3A_156 = tpu.memref_squeeze %dma_wait3A_155 : memref<1x1x4096xi32, #tpu.memory_space<hbm>> -> memref<4096xi32, #tpu.memory_space<hbm>>
      %dma_wait3A_157 = arith.constant 0 : i32
      %dma_wait3A_158 = tpu.memref_slice %arg3[%shift_right_logical3A_11, %dma_wait3A_153, %dma_wait3A_157] : memref<26x20x4096xi32, #tpu.memory_space<hbm>> -> memref<1x1x4096xi32, #tpu.memory_space<hbm>>
      %dma_wait3A_159 = tpu.memref_squeeze %dma_wait3A_158 : memref<1x1x4096xi32, #tpu.memory_space<hbm>> -> memref<4096xi32, #tpu.memory_space<hbm>>
      tpu.wait_dma2 semaphore(%arg11 : memref<!tpu.dma_semaphore, #tpu.memory_space<semaphore_mem>>) src(%dma_wait3A_159 : memref<4096xi32, #tpu.memory_space<hbm>>) dst(%arg8 : memref<4096xi32, #tpu.memory_space<vmem>>)
      %dma_wait3A_160 = arith.constant 11 : i32
      %dma_wait3A_161 = arith.constant 0 : i32
      %dma_wait3A_162 = tpu.memref_slice %arg3[%shift_right_logical3A_11, %dma_wait3A_160, %dma_wait3A_161] : memref<26x20x4096xi32, #tpu.memory_space<hbm>> -> memref<1x1x4096xi32, #tpu.memory_space<hbm>>
      %dma_wait3A_163 = tpu.memref_squeeze %dma_wait3A_162 : memref<1x1x4096xi32, #tpu.memory_space<hbm>> -> memref<4096xi32, #tpu.memory_space<hbm>>
      %dma_wait3A_164 = arith.constant 0 : i32
      %dma_wait3A_165 = tpu.memref_slice %arg3[%shift_right_logical3A_11, %dma_wait3A_160, %dma_wait3A_164] : memref<26x20x4096xi32, #tpu.memory_space<hbm>> -> memref<1x1x4096xi32, #tpu.memory_space<hbm>>
      %dma_wait3A_166 = tpu.memref_squeeze %dma_wait3A_165 : memref<1x1x4096xi32, #tpu.memory_space<hbm>> -> memref<4096xi32, #tpu.memory_space<hbm>>
      tpu.wait_dma2 semaphore(%arg11 : memref<!tpu.dma_semaphore, #tpu.memory_space<semaphore_mem>>) src(%dma_wait3A_166 : memref<4096xi32, #tpu.memory_space<hbm>>) dst(%arg9 : memref<4096xi32, #tpu.memory_space<vmem>>)
      %dma_start3A_167 = arith.constant 12 : i32
      %dma_start3A_168 = arith.constant 0 : i32
      %dma_start3A_169 = tpu.memref_slice %arg3[%shift_right_logical3A_11, %dma_start3A_167, %dma_start3A_168] : memref<26x20x4096xi32, #tpu.memory_space<hbm>> -> memref<1x1x4096xi32, #tpu.memory_space<hbm>>
      %dma_start3A_170 = tpu.memref_squeeze %dma_start3A_169 : memref<1x1x4096xi32, #tpu.memory_space<hbm>> -> memref<4096xi32, #tpu.memory_space<hbm>>
      %dma_start3A_171 = arith.constant 0 : i32
      %dma_start3A_172 = tpu.memref_slice %arg3[%shift_right_logical3A_11, %dma_start3A_167, %dma_start3A_171] : memref<26x20x4096xi32, #tpu.memory_space<hbm>> -> memref<1x1x4096xi32, #tpu.memory_space<hbm>>
      %dma_start3A_173 = tpu.memref_squeeze %dma_start3A_172 : memref<1x1x4096xi32, #tpu.memory_space<hbm>> -> memref<4096xi32, #tpu.memory_space<hbm>>
      tpu.enqueue_dma source(%dma_start3A_173 : memref<4096xi32, #tpu.memory_space<hbm>>) target(%arg6 : memref<4096xi32, #tpu.memory_space<vmem>>) target_semaphore(%arg11 : memref<!tpu.dma_semaphore, #tpu.memory_space<semaphore_mem>>)
      %dma_start3A_174 = arith.constant 13 : i32
      %dma_start3A_175 = arith.constant 0 : i32
      %dma_start3A_176 = tpu.memref_slice %arg3[%shift_right_logical3A_11, %dma_start3A_174, %dma_start3A_175] : memref<26x20x4096xi32, #tpu.memory_space<hbm>> -> memref<1x1x4096xi32, #tpu.memory_space<hbm>>
      %dma_start3A_177 = tpu.memref_squeeze %dma_start3A_176 : memref<1x1x4096xi32, #tpu.memory_space<hbm>> -> memref<4096xi32, #tpu.memory_space<hbm>>
      %dma_start3A_178 = arith.constant 0 : i32
      %dma_start3A_179 = tpu.memref_slice %arg3[%shift_right_logical3A_11, %dma_start3A_174, %dma_start3A_178] : memref<26x20x4096xi32, #tpu.memory_space<hbm>> -> memref<1x1x4096xi32, #tpu.memory_space<hbm>>
      %dma_start3A_180 = tpu.memref_squeeze %dma_start3A_179 : memref<1x1x4096xi32, #tpu.memory_space<hbm>> -> memref<4096xi32, #tpu.memory_space<hbm>>
      tpu.enqueue_dma source(%dma_start3A_180 : memref<4096xi32, #tpu.memory_space<hbm>>) target(%arg7 : memref<4096xi32, #tpu.memory_space<vmem>>) target_semaphore(%arg11 : memref<!tpu.dma_semaphore, #tpu.memory_space<semaphore_mem>>)
      %parallel_loop3A_181 = arith.constant 0 : i32
      %parallel_loop3A_182 = arith.constant 64 : i32
      %parallel_loop3A_183 = arith.constant 1 : i32
      scf.for %parallel_loop3A_294 = %parallel_loop3A_181 to %parallel_loop3A_182 step %parallel_loop3A_183  : i32 {
        %parallel_loop3A_295 = arith.constant 4 : i32
        %parallel_loop3A_296 = arith.muli %parallel_loop3A_295, %parallel_loop3A_294 : i32
        %parallel_loop3A_297 = arith.constant 0 : i32
        %parallel_loop3A_298 = arith.addi %parallel_loop3A_296, %parallel_loop3A_297 : i32
        %parallel_loop3A_299 = arith.constant 16 : i32
        %parallel_loop3A_300 = arith.muli %parallel_loop3A_298, %parallel_loop3A_299 : i32
        %parallel_loop3A_301 = arith.constant 4 : i32
        %parallel_loop3A_302 = arith.muli %parallel_loop3A_301, %parallel_loop3A_294 : i32
        %parallel_loop3A_303 = arith.constant 1 : i32
        %parallel_loop3A_304 = arith.addi %parallel_loop3A_302, %parallel_loop3A_303 : i32
        %parallel_loop3A_305 = arith.constant 16 : i32
        %parallel_loop3A_306 = arith.muli %parallel_loop3A_304, %parallel_loop3A_305 : i32
        %parallel_loop3A_307 = arith.constant 4 : i32
        %parallel_loop3A_308 = arith.muli %parallel_loop3A_307, %parallel_loop3A_294 : i32
        %parallel_loop3A_309 = arith.constant 2 : i32
        %parallel_loop3A_310 = arith.addi %parallel_loop3A_308, %parallel_loop3A_309 : i32
        %parallel_loop3A_311 = arith.constant 16 : i32
        %parallel_loop3A_312 = arith.muli %parallel_loop3A_310, %parallel_loop3A_311 : i32
        %parallel_loop3A_313 = arith.constant 4 : i32
        %parallel_loop3A_314 = arith.muli %parallel_loop3A_313, %parallel_loop3A_294 : i32
        %parallel_loop3A_315 = arith.constant 3 : i32
        %parallel_loop3A_316 = arith.addi %parallel_loop3A_314, %parallel_loop3A_315 : i32
        %parallel_loop3A_317 = arith.constant 16 : i32
        %parallel_loop3A_318 = arith.muli %parallel_loop3A_316, %parallel_loop3A_317 : i32
        %parallel_loop3A_319 = arith.index_cast %parallel_loop3A_300 : i32 to index
        %parallel_loop3A_320 = tpu.vector_load %arg8[%parallel_loop3A_319] {strides = array<i32>} : memref<4096xi32, #tpu.memory_space<vmem>>, vector<16xi32>,
        %parallel_loop3A_321 = arith.index_cast %parallel_loop3A_306 : i32 to index
        %parallel_loop3A_322 = tpu.vector_load %arg8[%parallel_loop3A_321] {strides = array<i32>} : memref<4096xi32, #tpu.memory_space<vmem>>, vector<16xi32>,
        %parallel_loop3A_323 = arith.index_cast %parallel_loop3A_312 : i32 to index
        %parallel_loop3A_324 = tpu.vector_load %arg8[%parallel_loop3A_323] {strides = array<i32>} : memref<4096xi32, #tpu.memory_space<vmem>>, vector<16xi32>,
        %parallel_loop3A_325 = arith.index_cast %parallel_loop3A_318 : i32 to index
        %parallel_loop3A_326 = tpu.vector_load %arg8[%parallel_loop3A_325] {strides = array<i32>} : memref<4096xi32, #tpu.memory_space<vmem>>, vector<16xi32>,
        %parallel_loop3A_327 = arith.index_cast %parallel_loop3A_300 : i32 to index
        %parallel_loop3A_328 = tpu.vector_load %arg9[%parallel_loop3A_327] {strides = array<i32>} : memref<4096xi32, #tpu.memory_space<vmem>>, vector<16xi32>,
        %parallel_loop3A_329 = arith.index_cast %parallel_loop3A_306 : i32 to index
        %parallel_loop3A_330 = tpu.vector_load %arg9[%parallel_loop3A_329] {strides = array<i32>} : memref<4096xi32, #tpu.memory_space<vmem>>, vector<16xi32>,
        %parallel_loop3A_331 = arith.index_cast %parallel_loop3A_312 : i32 to index
        %parallel_loop3A_332 = tpu.vector_load %arg9[%parallel_loop3A_331] {strides = array<i32>} : memref<4096xi32, #tpu.memory_space<vmem>>, vector<16xi32>,
        %parallel_loop3A_333 = arith.index_cast %parallel_loop3A_318 : i32 to index
        %parallel_loop3A_334 = tpu.vector_load %arg9[%parallel_loop3A_333] {strides = array<i32>} : memref<4096xi32, #tpu.memory_space<vmem>>, vector<16xi32>,
        %parallel_loop3A_335 = tpu.vector_load_idx %arg5[%parallel_loop3A_320] : memref<100000xf32, #tpu.memory_space<vmem>>[vector<16xi32>], vector<16xf32>,
        %parallel_loop3A_336 = tpu.vector_load_idx %arg5[%parallel_loop3A_322] : memref<100000xf32, #tpu.memory_space<vmem>>[vector<16xi32>], vector<16xf32>,
        %parallel_loop3A_337 = tpu.vector_load_idx %arg5[%parallel_loop3A_324] : memref<100000xf32, #tpu.memory_space<vmem>>[vector<16xi32>], vector<16xf32>,
        %parallel_loop3A_338 = tpu.vector_load_idx %arg5[%parallel_loop3A_326] : memref<100000xf32, #tpu.memory_space<vmem>>[vector<16xi32>], vector<16xf32>,
        %parallel_loop3A_339 = tpu.vector_load_idx %arg5[%parallel_loop3A_328] : memref<100000xf32, #tpu.memory_space<vmem>>[vector<16xi32>], vector<16xf32>,
        %parallel_loop3A_340 = tpu.vector_load_idx %arg5[%parallel_loop3A_330] : memref<100000xf32, #tpu.memory_space<vmem>>[vector<16xi32>], vector<16xf32>,
        %parallel_loop3A_341 = tpu.vector_load_idx %arg5[%parallel_loop3A_332] : memref<100000xf32, #tpu.memory_space<vmem>>[vector<16xi32>], vector<16xf32>,
        %parallel_loop3A_342 = tpu.vector_load_idx %arg5[%parallel_loop3A_334] : memref<100000xf32, #tpu.memory_space<vmem>>[vector<16xi32>], vector<16xf32>,
        %parallel_loop3A_343 = arith.addf %parallel_loop3A_335, %parallel_loop3A_339 : vector<16xf32>
        %parallel_loop3A_344 = arith.addf %parallel_loop3A_336, %parallel_loop3A_340 : vector<16xf32>
        %parallel_loop3A_345 = arith.addf %parallel_loop3A_337, %parallel_loop3A_341 : vector<16xf32>
        %parallel_loop3A_346 = arith.addf %parallel_loop3A_338, %parallel_loop3A_342 : vector<16xf32>
        %parallel_loop3A_347 = arith.index_cast %parallel_loop3A_300 : i32 to index
        %parallel_loop3A_348 = tpu.vector_load %arg10[%parallel_loop3A_347] {strides = array<i32>} : memref<4096xf32, #tpu.memory_space<vmem>>, vector<16xf32>,
        tpu.vector_store %arg10[%parallel_loop3A_347], %parallel_loop3A_343 {add = true, strides = array<i32>} : memref<4096xf32, #tpu.memory_space<vmem>>, vector<16xf32>,
        %parallel_loop3A_349 = arith.index_cast %parallel_loop3A_306 : i32 to index
        %parallel_loop3A_350 = tpu.vector_load %arg10[%parallel_loop3A_349] {strides = array<i32>} : memref<4096xf32, #tpu.memory_space<vmem>>, vector<16xf32>,
        tpu.vector_store %arg10[%parallel_loop3A_349], %parallel_loop3A_344 {add = true, strides = array<i32>} : memref<4096xf32, #tpu.memory_space<vmem>>, vector<16xf32>,
        %parallel_loop3A_351 = arith.index_cast %parallel_loop3A_312 : i32 to index
        %parallel_loop3A_352 = tpu.vector_load %arg10[%parallel_loop3A_351] {strides = array<i32>} : memref<4096xf32, #tpu.memory_space<vmem>>, vector<16xf32>,
        tpu.vector_store %arg10[%parallel_loop3A_351], %parallel_loop3A_345 {add = true, strides = array<i32>} : memref<4096xf32, #tpu.memory_space<vmem>>, vector<16xf32>,
        %parallel_loop3A_353 = arith.index_cast %parallel_loop3A_318 : i32 to index
        %parallel_loop3A_354 = tpu.vector_load %arg10[%parallel_loop3A_353] {strides = array<i32>} : memref<4096xf32, #tpu.memory_space<vmem>>, vector<16xf32>,
        tpu.vector_store %arg10[%parallel_loop3A_353], %parallel_loop3A_346 {add = true, strides = array<i32>} : memref<4096xf32, #tpu.memory_space<vmem>>, vector<16xf32>,
      } {sc.loop_unroll_factor = 2 : i64, sc.parallel_access}
      %dma_wait3A_184 = arith.constant 12 : i32
      %dma_wait3A_185 = arith.constant 0 : i32
      %dma_wait3A_186 = tpu.memref_slice %arg3[%shift_right_logical3A_11, %dma_wait3A_184, %dma_wait3A_185] : memref<26x20x4096xi32, #tpu.memory_space<hbm>> -> memref<1x1x4096xi32, #tpu.memory_space<hbm>>
      %dma_wait3A_187 = tpu.memref_squeeze %dma_wait3A_186 : memref<1x1x4096xi32, #tpu.memory_space<hbm>> -> memref<4096xi32, #tpu.memory_space<hbm>>
      %dma_wait3A_188 = arith.constant 0 : i32
      %dma_wait3A_189 = tpu.memref_slice %arg3[%shift_right_logical3A_11, %dma_wait3A_184, %dma_wait3A_188] : memref<26x20x4096xi32, #tpu.memory_space<hbm>> -> memref<1x1x4096xi32, #tpu.memory_space<hbm>>
      %dma_wait3A_190 = tpu.memref_squeeze %dma_wait3A_189 : memref<1x1x4096xi32, #tpu.memory_space<hbm>> -> memref<4096xi32, #tpu.memory_space<hbm>>
      tpu.wait_dma2 semaphore(%arg11 : memref<!tpu.dma_semaphore, #tpu.memory_space<semaphore_mem>>) src(%dma_wait3A_190 : memref<4096xi32, #tpu.memory_space<hbm>>) dst(%arg6 : memref<4096xi32, #tpu.memory_space<vmem>>)
      %dma_wait3A_191 = arith.constant 13 : i32
      %dma_wait3A_192 = arith.constant 0 : i32
      %dma_wait3A_193 = tpu.memref_slice %arg3[%shift_right_logical3A_11, %dma_wait3A_191, %dma_wait3A_192] : memref<26x20x4096xi32, #tpu.memory_space<hbm>> -> memref<1x1x4096xi32, #tpu.memory_space<hbm>>
      %dma_wait3A_194 = tpu.memref_squeeze %dma_wait3A_193 : memref<1x1x4096xi32, #tpu.memory_space<hbm>> -> memref<4096xi32, #tpu.memory_space<hbm>>
      %dma_wait3A_195 = arith.constant 0 : i32
      %dma_wait3A_196 = tpu.memref_slice %arg3[%shift_right_logical3A_11, %dma_wait3A_191, %dma_wait3A_195] : memref<26x20x4096xi32, #tpu.memory_space<hbm>> -> memref<1x1x4096xi32, #tpu.memory_space<hbm>>
      %dma_wait3A_197 = tpu.memref_squeeze %dma_wait3A_196 : memref<1x1x4096xi32, #tpu.memory_space<hbm>> -> memref<4096xi32, #tpu.memory_space<hbm>>
      tpu.wait_dma2 semaphore(%arg11 : memref<!tpu.dma_semaphore, #tpu.memory_space<semaphore_mem>>) src(%dma_wait3A_197 : memref<4096xi32, #tpu.memory_space<hbm>>) dst(%arg7 : memref<4096xi32, #tpu.memory_space<vmem>>)
      %dma_start3A_198 = arith.constant 14 : i32
      %dma_start3A_199 = arith.constant 0 : i32
      %dma_start3A_200 = tpu.memref_slice %arg3[%shift_right_logical3A_11, %dma_start3A_198, %dma_start3A_199] : memref<26x20x4096xi32, #tpu.memory_space<hbm>> -> memref<1x1x4096xi32, #tpu.memory_space<hbm>>
      %dma_start3A_201 = tpu.memref_squeeze %dma_start3A_200 : memref<1x1x4096xi32, #tpu.memory_space<hbm>> -> memref<4096xi32, #tpu.memory_space<hbm>>
      %dma_start3A_202 = arith.constant 0 : i32
      %dma_start3A_203 = tpu.memref_slice %arg3[%shift_right_logical3A_11, %dma_start3A_198, %dma_start3A_202] : memref<26x20x4096xi32, #tpu.memory_space<hbm>> -> memref<1x1x4096xi32, #tpu.memory_space<hbm>>
      %dma_start3A_204 = tpu.memref_squeeze %dma_start3A_203 : memref<1x1x4096xi32, #tpu.memory_space<hbm>> -> memref<4096xi32, #tpu.memory_space<hbm>>
      tpu.enqueue_dma source(%dma_start3A_204 : memref<4096xi32, #tpu.memory_space<hbm>>) target(%arg8 : memref<4096xi32, #tpu.memory_space<vmem>>) target_semaphore(%arg11 : memref<!tpu.dma_semaphore, #tpu.memory_space<semaphore_mem>>)
      %dma_start3A_205 = arith.constant 15 : i32
      %dma_start3A_206 = arith.constant 0 : i32
      %dma_start3A_207 = tpu.memref_slice %arg3[%shift_right_logical3A_11, %dma_start3A_205, %dma_start3A_206] : memref<26x20x4096xi32, #tpu.memory_space<hbm>> -> memref<1x1x4096xi32, #tpu.memory_space<hbm>>
      %dma_start3A_208 = tpu.memref_squeeze %dma_start3A_207 : memref<1x1x4096xi32, #tpu.memory_space<hbm>> -> memref<4096xi32, #tpu.memory_space<hbm>>
      %dma_start3A_209 = arith.constant 0 : i32
      %dma_start3A_210 = tpu.memref_slice %arg3[%shift_right_logical3A_11, %dma_start3A_205, %dma_start3A_209] : memref<26x20x4096xi32, #tpu.memory_space<hbm>> -> memref<1x1x4096xi32, #tpu.memory_space<hbm>>
      %dma_start3A_211 = tpu.memref_squeeze %dma_start3A_210 : memref<1x1x4096xi32, #tpu.memory_space<hbm>> -> memref<4096xi32, #tpu.memory_space<hbm>>
      tpu.enqueue_dma source(%dma_start3A_211 : memref<4096xi32, #tpu.memory_space<hbm>>) target(%arg9 : memref<4096xi32, #tpu.memory_space<vmem>>) target_semaphore(%arg11 : memref<!tpu.dma_semaphore, #tpu.memory_space<semaphore_mem>>)
      %parallel_loop3A_212 = arith.constant 0 : i32
      %parallel_loop3A_213 = arith.constant 64 : i32
      %parallel_loop3A_214 = arith.constant 1 : i32
      scf.for %parallel_loop3A_294 = %parallel_loop3A_212 to %parallel_loop3A_213 step %parallel_loop3A_214  : i32 {
        %parallel_loop3A_295 = arith.constant 4 : i32
        %parallel_loop3A_296 = arith.muli %parallel_loop3A_295, %parallel_loop3A_294 : i32
        %parallel_loop3A_297 = arith.constant 0 : i32
        %parallel_loop3A_298 = arith.addi %parallel_loop3A_296, %parallel_loop3A_297 : i32
        %parallel_loop3A_299 = arith.constant 16 : i32
        %parallel_loop3A_300 = arith.muli %parallel_loop3A_298, %parallel_loop3A_299 : i32
        %parallel_loop3A_301 = arith.constant 4 : i32
        %parallel_loop3A_302 = arith.muli %parallel_loop3A_301, %parallel_loop3A_294 : i32
        %parallel_loop3A_303 = arith.constant 1 : i32
        %parallel_loop3A_304 = arith.addi %parallel_loop3A_302, %parallel_loop3A_303 : i32
        %parallel_loop3A_305 = arith.constant 16 : i32
        %parallel_loop3A_306 = arith.muli %parallel_loop3A_304, %parallel_loop3A_305 : i32
        %parallel_loop3A_307 = arith.constant 4 : i32
        %parallel_loop3A_308 = arith.muli %parallel_loop3A_307, %parallel_loop3A_294 : i32
        %parallel_loop3A_309 = arith.constant 2 : i32
        %parallel_loop3A_310 = arith.addi %parallel_loop3A_308, %parallel_loop3A_309 : i32
        %parallel_loop3A_311 = arith.constant 16 : i32
        %parallel_loop3A_312 = arith.muli %parallel_loop3A_310, %parallel_loop3A_311 : i32
        %parallel_loop3A_313 = arith.constant 4 : i32
        %parallel_loop3A_314 = arith.muli %parallel_loop3A_313, %parallel_loop3A_294 : i32
        %parallel_loop3A_315 = arith.constant 3 : i32
        %parallel_loop3A_316 = arith.addi %parallel_loop3A_314, %parallel_loop3A_315 : i32
        %parallel_loop3A_317 = arith.constant 16 : i32
        %parallel_loop3A_318 = arith.muli %parallel_loop3A_316, %parallel_loop3A_317 : i32
        %parallel_loop3A_319 = arith.index_cast %parallel_loop3A_300 : i32 to index
        %parallel_loop3A_320 = tpu.vector_load %arg6[%parallel_loop3A_319] {strides = array<i32>} : memref<4096xi32, #tpu.memory_space<vmem>>, vector<16xi32>,
        %parallel_loop3A_321 = arith.index_cast %parallel_loop3A_306 : i32 to index
        %parallel_loop3A_322 = tpu.vector_load %arg6[%parallel_loop3A_321] {strides = array<i32>} : memref<4096xi32, #tpu.memory_space<vmem>>, vector<16xi32>,
        %parallel_loop3A_323 = arith.index_cast %parallel_loop3A_312 : i32 to index
        %parallel_loop3A_324 = tpu.vector_load %arg6[%parallel_loop3A_323] {strides = array<i32>} : memref<4096xi32, #tpu.memory_space<vmem>>, vector<16xi32>,
        %parallel_loop3A_325 = arith.index_cast %parallel_loop3A_318 : i32 to index
        %parallel_loop3A_326 = tpu.vector_load %arg6[%parallel_loop3A_325] {strides = array<i32>} : memref<4096xi32, #tpu.memory_space<vmem>>, vector<16xi32>,
        %parallel_loop3A_327 = arith.index_cast %parallel_loop3A_300 : i32 to index
        %parallel_loop3A_328 = tpu.vector_load %arg7[%parallel_loop3A_327] {strides = array<i32>} : memref<4096xi32, #tpu.memory_space<vmem>>, vector<16xi32>,
        %parallel_loop3A_329 = arith.index_cast %parallel_loop3A_306 : i32 to index
        %parallel_loop3A_330 = tpu.vector_load %arg7[%parallel_loop3A_329] {strides = array<i32>} : memref<4096xi32, #tpu.memory_space<vmem>>, vector<16xi32>,
        %parallel_loop3A_331 = arith.index_cast %parallel_loop3A_312 : i32 to index
        %parallel_loop3A_332 = tpu.vector_load %arg7[%parallel_loop3A_331] {strides = array<i32>} : memref<4096xi32, #tpu.memory_space<vmem>>, vector<16xi32>,
        %parallel_loop3A_333 = arith.index_cast %parallel_loop3A_318 : i32 to index
        %parallel_loop3A_334 = tpu.vector_load %arg7[%parallel_loop3A_333] {strides = array<i32>} : memref<4096xi32, #tpu.memory_space<vmem>>, vector<16xi32>,
        %parallel_loop3A_335 = tpu.vector_load_idx %arg5[%parallel_loop3A_320] : memref<100000xf32, #tpu.memory_space<vmem>>[vector<16xi32>], vector<16xf32>,
        %parallel_loop3A_336 = tpu.vector_load_idx %arg5[%parallel_loop3A_322] : memref<100000xf32, #tpu.memory_space<vmem>>[vector<16xi32>], vector<16xf32>,
        %parallel_loop3A_337 = tpu.vector_load_idx %arg5[%parallel_loop3A_324] : memref<100000xf32, #tpu.memory_space<vmem>>[vector<16xi32>], vector<16xf32>,
        %parallel_loop3A_338 = tpu.vector_load_idx %arg5[%parallel_loop3A_326] : memref<100000xf32, #tpu.memory_space<vmem>>[vector<16xi32>], vector<16xf32>,
        %parallel_loop3A_339 = tpu.vector_load_idx %arg5[%parallel_loop3A_328] : memref<100000xf32, #tpu.memory_space<vmem>>[vector<16xi32>], vector<16xf32>,
        %parallel_loop3A_340 = tpu.vector_load_idx %arg5[%parallel_loop3A_330] : memref<100000xf32, #tpu.memory_space<vmem>>[vector<16xi32>], vector<16xf32>,
        %parallel_loop3A_341 = tpu.vector_load_idx %arg5[%parallel_loop3A_332] : memref<100000xf32, #tpu.memory_space<vmem>>[vector<16xi32>], vector<16xf32>,
        %parallel_loop3A_342 = tpu.vector_load_idx %arg5[%parallel_loop3A_334] : memref<100000xf32, #tpu.memory_space<vmem>>[vector<16xi32>], vector<16xf32>,
        %parallel_loop3A_343 = arith.addf %parallel_loop3A_335, %parallel_loop3A_339 : vector<16xf32>
        %parallel_loop3A_344 = arith.addf %parallel_loop3A_336, %parallel_loop3A_340 : vector<16xf32>
        %parallel_loop3A_345 = arith.addf %parallel_loop3A_337, %parallel_loop3A_341 : vector<16xf32>
        %parallel_loop3A_346 = arith.addf %parallel_loop3A_338, %parallel_loop3A_342 : vector<16xf32>
        %parallel_loop3A_347 = arith.index_cast %parallel_loop3A_300 : i32 to index
        %parallel_loop3A_348 = tpu.vector_load %arg10[%parallel_loop3A_347] {strides = array<i32>} : memref<4096xf32, #tpu.memory_space<vmem>>, vector<16xf32>,
        tpu.vector_store %arg10[%parallel_loop3A_347], %parallel_loop3A_343 {add = true, strides = array<i32>} : memref<4096xf32, #tpu.memory_space<vmem>>, vector<16xf32>,
        %parallel_loop3A_349 = arith.index_cast %parallel_loop3A_306 : i32 to index
        %parallel_loop3A_350 = tpu.vector_load %arg10[%parallel_loop3A_349] {strides = array<i32>} : memref<4096xf32, #tpu.memory_space<vmem>>, vector<16xf32>,
        tpu.vector_store %arg10[%parallel_loop3A_349], %parallel_loop3A_344 {add = true, strides = array<i32>} : memref<4096xf32, #tpu.memory_space<vmem>>, vector<16xf32>,
        %parallel_loop3A_351 = arith.index_cast %parallel_loop3A_312 : i32 to index
        %parallel_loop3A_352 = tpu.vector_load %arg10[%parallel_loop3A_351] {strides = array<i32>} : memref<4096xf32, #tpu.memory_space<vmem>>, vector<16xf32>,
        tpu.vector_store %arg10[%parallel_loop3A_351], %parallel_loop3A_345 {add = true, strides = array<i32>} : memref<4096xf32, #tpu.memory_space<vmem>>, vector<16xf32>,
        %parallel_loop3A_353 = arith.index_cast %parallel_loop3A_318 : i32 to index
        %parallel_loop3A_354 = tpu.vector_load %arg10[%parallel_loop3A_353] {strides = array<i32>} : memref<4096xf32, #tpu.memory_space<vmem>>, vector<16xf32>,
        tpu.vector_store %arg10[%parallel_loop3A_353], %parallel_loop3A_346 {add = true, strides = array<i32>} : memref<4096xf32, #tpu.memory_space<vmem>>, vector<16xf32>,
      } {sc.loop_unroll_factor = 2 : i64, sc.parallel_access}
      %dma_wait3A_215 = arith.constant 14 : i32
      %dma_wait3A_216 = arith.constant 0 : i32
      %dma_wait3A_217 = tpu.memref_slice %arg3[%shift_right_logical3A_11, %dma_wait3A_215, %dma_wait3A_216] : memref<26x20x4096xi32, #tpu.memory_space<hbm>> -> memref<1x1x4096xi32, #tpu.memory_space<hbm>>
      %dma_wait3A_218 = tpu.memref_squeeze %dma_wait3A_217 : memref<1x1x4096xi32, #tpu.memory_space<hbm>> -> memref<4096xi32, #tpu.memory_space<hbm>>
      %dma_wait3A_219 = arith.constant 0 : i32
      %dma_wait3A_220 = tpu.memref_slice %arg3[%shift_right_logical3A_11, %dma_wait3A_215, %dma_wait3A_219] : memref<26x20x4096xi32, #tpu.memory_space<hbm>> -> memref<1x1x4096xi32, #tpu.memory_space<hbm>>
      %dma_wait3A_221 = tpu.memref_squeeze %dma_wait3A_220 : memref<1x1x4096xi32, #tpu.memory_space<hbm>> -> memref<4096xi32, #tpu.memory_space<hbm>>
      tpu.wait_dma2 semaphore(%arg11 : memref<!tpu.dma_semaphore, #tpu.memory_space<semaphore_mem>>) src(%dma_wait3A_221 : memref<4096xi32, #tpu.memory_space<hbm>>) dst(%arg8 : memref<4096xi32, #tpu.memory_space<vmem>>)
      %dma_wait3A_222 = arith.constant 15 : i32
      %dma_wait3A_223 = arith.constant 0 : i32
      %dma_wait3A_224 = tpu.memref_slice %arg3[%shift_right_logical3A_11, %dma_wait3A_222, %dma_wait3A_223] : memref<26x20x4096xi32, #tpu.memory_space<hbm>> -> memref<1x1x4096xi32, #tpu.memory_space<hbm>>
      %dma_wait3A_225 = tpu.memref_squeeze %dma_wait3A_224 : memref<1x1x4096xi32, #tpu.memory_space<hbm>> -> memref<4096xi32, #tpu.memory_space<hbm>>
      %dma_wait3A_226 = arith.constant 0 : i32
      %dma_wait3A_227 = tpu.memref_slice %arg3[%shift_right_logical3A_11, %dma_wait3A_222, %dma_wait3A_226] : memref<26x20x4096xi32, #tpu.memory_space<hbm>> -> memref<1x1x4096xi32, #tpu.memory_space<hbm>>
      %dma_wait3A_228 = tpu.memref_squeeze %dma_wait3A_227 : memref<1x1x4096xi32, #tpu.memory_space<hbm>> -> memref<4096xi32, #tpu.memory_space<hbm>>
      tpu.wait_dma2 semaphore(%arg11 : memref<!tpu.dma_semaphore, #tpu.memory_space<semaphore_mem>>) src(%dma_wait3A_228 : memref<4096xi32, #tpu.memory_space<hbm>>) dst(%arg9 : memref<4096xi32, #tpu.memory_space<vmem>>)
      %dma_start3A_229 = arith.constant 16 : i32
      %dma_start3A_230 = arith.constant 0 : i32
      %dma_start3A_231 = tpu.memref_slice %arg3[%shift_right_logical3A_11, %dma_start3A_229, %dma_start3A_230] : memref<26x20x4096xi32, #tpu.memory_space<hbm>> -> memref<1x1x4096xi32, #tpu.memory_space<hbm>>
      %dma_start3A_232 = tpu.memref_squeeze %dma_start3A_231 : memref<1x1x4096xi32, #tpu.memory_space<hbm>> -> memref<4096xi32, #tpu.memory_space<hbm>>
      %dma_start3A_233 = arith.constant 0 : i32
      %dma_start3A_234 = tpu.memref_slice %arg3[%shift_right_logical3A_11, %dma_start3A_229, %dma_start3A_233] : memref<26x20x4096xi32, #tpu.memory_space<hbm>> -> memref<1x1x4096xi32, #tpu.memory_space<hbm>>
      %dma_start3A_235 = tpu.memref_squeeze %dma_start3A_234 : memref<1x1x4096xi32, #tpu.memory_space<hbm>> -> memref<4096xi32, #tpu.memory_space<hbm>>
      tpu.enqueue_dma source(%dma_start3A_235 : memref<4096xi32, #tpu.memory_space<hbm>>) target(%arg6 : memref<4096xi32, #tpu.memory_space<vmem>>) target_semaphore(%arg11 : memref<!tpu.dma_semaphore, #tpu.memory_space<semaphore_mem>>)
      %dma_start3A_236 = arith.constant 17 : i32
      %dma_start3A_237 = arith.constant 0 : i32
      %dma_start3A_238 = tpu.memref_slice %arg3[%shift_right_logical3A_11, %dma_start3A_236, %dma_start3A_237] : memref<26x20x4096xi32, #tpu.memory_space<hbm>> -> memref<1x1x4096xi32, #tpu.memory_space<hbm>>
      %dma_start3A_239 = tpu.memref_squeeze %dma_start3A_238 : memref<1x1x4096xi32, #tpu.memory_space<hbm>> -> memref<4096xi32, #tpu.memory_space<hbm>>
      %dma_start3A_240 = arith.constant 0 : i32
      %dma_start3A_241 = tpu.memref_slice %arg3[%shift_right_logical3A_11, %dma_start3A_236, %dma_start3A_240] : memref<26x20x4096xi32, #tpu.memory_space<hbm>> -> memref<1x1x4096xi32, #tpu.memory_space<hbm>>
      %dma_start3A_242 = tpu.memref_squeeze %dma_start3A_241 : memref<1x1x4096xi32, #tpu.memory_space<hbm>> -> memref<4096xi32, #tpu.memory_space<hbm>>
      tpu.enqueue_dma source(%dma_start3A_242 : memref<4096xi32, #tpu.memory_space<hbm>>) target(%arg7 : memref<4096xi32, #tpu.memory_space<vmem>>) target_semaphore(%arg11 : memref<!tpu.dma_semaphore, #tpu.memory_space<semaphore_mem>>)
      %parallel_loop3A_243 = arith.constant 0 : i32
      %parallel_loop3A_244 = arith.constant 64 : i32
      %parallel_loop3A_245 = arith.constant 1 : i32
      scf.for %parallel_loop3A_294 = %parallel_loop3A_243 to %parallel_loop3A_244 step %parallel_loop3A_245  : i32 {
        %parallel_loop3A_295 = arith.constant 4 : i32
        %parallel_loop3A_296 = arith.muli %parallel_loop3A_295, %parallel_loop3A_294 : i32
        %parallel_loop3A_297 = arith.constant 0 : i32
        %parallel_loop3A_298 = arith.addi %parallel_loop3A_296, %parallel_loop3A_297 : i32
        %parallel_loop3A_299 = arith.constant 16 : i32
        %parallel_loop3A_300 = arith.muli %parallel_loop3A_298, %parallel_loop3A_299 : i32
        %parallel_loop3A_301 = arith.constant 4 : i32
        %parallel_loop3A_302 = arith.muli %parallel_loop3A_301, %parallel_loop3A_294 : i32
        %parallel_loop3A_303 = arith.constant 1 : i32
        %parallel_loop3A_304 = arith.addi %parallel_loop3A_302, %parallel_loop3A_303 : i32
        %parallel_loop3A_305 = arith.constant 16 : i32
        %parallel_loop3A_306 = arith.muli %parallel_loop3A_304, %parallel_loop3A_305 : i32
        %parallel_loop3A_307 = arith.constant 4 : i32
        %parallel_loop3A_308 = arith.muli %parallel_loop3A_307, %parallel_loop3A_294 : i32
        %parallel_loop3A_309 = arith.constant 2 : i32
        %parallel_loop3A_310 = arith.addi %parallel_loop3A_308, %parallel_loop3A_309 : i32
        %parallel_loop3A_311 = arith.constant 16 : i32
        %parallel_loop3A_312 = arith.muli %parallel_loop3A_310, %parallel_loop3A_311 : i32
        %parallel_loop3A_313 = arith.constant 4 : i32
        %parallel_loop3A_314 = arith.muli %parallel_loop3A_313, %parallel_loop3A_294 : i32
        %parallel_loop3A_315 = arith.constant 3 : i32
        %parallel_loop3A_316 = arith.addi %parallel_loop3A_314, %parallel_loop3A_315 : i32
        %parallel_loop3A_317 = arith.constant 16 : i32
        %parallel_loop3A_318 = arith.muli %parallel_loop3A_316, %parallel_loop3A_317 : i32
        %parallel_loop3A_319 = arith.index_cast %parallel_loop3A_300 : i32 to index
        %parallel_loop3A_320 = tpu.vector_load %arg8[%parallel_loop3A_319] {strides = array<i32>} : memref<4096xi32, #tpu.memory_space<vmem>>, vector<16xi32>,
        %parallel_loop3A_321 = arith.index_cast %parallel_loop3A_306 : i32 to index
        %parallel_loop3A_322 = tpu.vector_load %arg8[%parallel_loop3A_321] {strides = array<i32>} : memref<4096xi32, #tpu.memory_space<vmem>>, vector<16xi32>,
        %parallel_loop3A_323 = arith.index_cast %parallel_loop3A_312 : i32 to index
        %parallel_loop3A_324 = tpu.vector_load %arg8[%parallel_loop3A_323] {strides = array<i32>} : memref<4096xi32, #tpu.memory_space<vmem>>, vector<16xi32>,
        %parallel_loop3A_325 = arith.index_cast %parallel_loop3A_318 : i32 to index
        %parallel_loop3A_326 = tpu.vector_load %arg8[%parallel_loop3A_325] {strides = array<i32>} : memref<4096xi32, #tpu.memory_space<vmem>>, vector<16xi32>,
        %parallel_loop3A_327 = arith.index_cast %parallel_loop3A_300 : i32 to index
        %parallel_loop3A_328 = tpu.vector_load %arg9[%parallel_loop3A_327] {strides = array<i32>} : memref<4096xi32, #tpu.memory_space<vmem>>, vector<16xi32>,
        %parallel_loop3A_329 = arith.index_cast %parallel_loop3A_306 : i32 to index
        %parallel_loop3A_330 = tpu.vector_load %arg9[%parallel_loop3A_329] {strides = array<i32>} : memref<4096xi32, #tpu.memory_space<vmem>>, vector<16xi32>,
        %parallel_loop3A_331 = arith.index_cast %parallel_loop3A_312 : i32 to index
        %parallel_loop3A_332 = tpu.vector_load %arg9[%parallel_loop3A_331] {strides = array<i32>} : memref<4096xi32, #tpu.memory_space<vmem>>, vector<16xi32>,
        %parallel_loop3A_333 = arith.index_cast %parallel_loop3A_318 : i32 to index
        %parallel_loop3A_334 = tpu.vector_load %arg9[%parallel_loop3A_333] {strides = array<i32>} : memref<4096xi32, #tpu.memory_space<vmem>>, vector<16xi32>,
        %parallel_loop3A_335 = tpu.vector_load_idx %arg5[%parallel_loop3A_320] : memref<100000xf32, #tpu.memory_space<vmem>>[vector<16xi32>], vector<16xf32>,
        %parallel_loop3A_336 = tpu.vector_load_idx %arg5[%parallel_loop3A_322] : memref<100000xf32, #tpu.memory_space<vmem>>[vector<16xi32>], vector<16xf32>,
        %parallel_loop3A_337 = tpu.vector_load_idx %arg5[%parallel_loop3A_324] : memref<100000xf32, #tpu.memory_space<vmem>>[vector<16xi32>], vector<16xf32>,
        %parallel_loop3A_338 = tpu.vector_load_idx %arg5[%parallel_loop3A_326] : memref<100000xf32, #tpu.memory_space<vmem>>[vector<16xi32>], vector<16xf32>,
        %parallel_loop3A_339 = tpu.vector_load_idx %arg5[%parallel_loop3A_328] : memref<100000xf32, #tpu.memory_space<vmem>>[vector<16xi32>], vector<16xf32>,
        %parallel_loop3A_340 = tpu.vector_load_idx %arg5[%parallel_loop3A_330] : memref<100000xf32, #tpu.memory_space<vmem>>[vector<16xi32>], vector<16xf32>,
        %parallel_loop3A_341 = tpu.vector_load_idx %arg5[%parallel_loop3A_332] : memref<100000xf32, #tpu.memory_space<vmem>>[vector<16xi32>], vector<16xf32>,
        %parallel_loop3A_342 = tpu.vector_load_idx %arg5[%parallel_loop3A_334] : memref<100000xf32, #tpu.memory_space<vmem>>[vector<16xi32>], vector<16xf32>,
        %parallel_loop3A_343 = arith.addf %parallel_loop3A_335, %parallel_loop3A_339 : vector<16xf32>
        %parallel_loop3A_344 = arith.addf %parallel_loop3A_336, %parallel_loop3A_340 : vector<16xf32>
        %parallel_loop3A_345 = arith.addf %parallel_loop3A_337, %parallel_loop3A_341 : vector<16xf32>
        %parallel_loop3A_346 = arith.addf %parallel_loop3A_338, %parallel_loop3A_342 : vector<16xf32>
        %parallel_loop3A_347 = arith.index_cast %parallel_loop3A_300 : i32 to index
        %parallel_loop3A_348 = tpu.vector_load %arg10[%parallel_loop3A_347] {strides = array<i32>} : memref<4096xf32, #tpu.memory_space<vmem>>, vector<16xf32>,
        tpu.vector_store %arg10[%parallel_loop3A_347], %parallel_loop3A_343 {add = true, strides = array<i32>} : memref<4096xf32, #tpu.memory_space<vmem>>, vector<16xf32>,
        %parallel_loop3A_349 = arith.index_cast %parallel_loop3A_306 : i32 to index
        %parallel_loop3A_350 = tpu.vector_load %arg10[%parallel_loop3A_349] {strides = array<i32>} : memref<4096xf32, #tpu.memory_space<vmem>>, vector<16xf32>,
        tpu.vector_store %arg10[%parallel_loop3A_349], %parallel_loop3A_344 {add = true, strides = array<i32>} : memref<4096xf32, #tpu.memory_space<vmem>>, vector<16xf32>,
        %parallel_loop3A_351 = arith.index_cast %parallel_loop3A_312 : i32 to index
        %parallel_loop3A_352 = tpu.vector_load %arg10[%parallel_loop3A_351] {strides = array<i32>} : memref<4096xf32, #tpu.memory_space<vmem>>, vector<16xf32>,
        tpu.vector_store %arg10[%parallel_loop3A_351], %parallel_loop3A_345 {add = true, strides = array<i32>} : memref<4096xf32, #tpu.memory_space<vmem>>, vector<16xf32>,
        %parallel_loop3A_353 = arith.index_cast %parallel_loop3A_318 : i32 to index
        %parallel_loop3A_354 = tpu.vector_load %arg10[%parallel_loop3A_353] {strides = array<i32>} : memref<4096xf32, #tpu.memory_space<vmem>>, vector<16xf32>,
        tpu.vector_store %arg10[%parallel_loop3A_353], %parallel_loop3A_346 {add = true, strides = array<i32>} : memref<4096xf32, #tpu.memory_space<vmem>>, vector<16xf32>,
      } {sc.loop_unroll_factor = 2 : i64, sc.parallel_access}
      %dma_wait3A_246 = arith.constant 16 : i32
      %dma_wait3A_247 = arith.constant 0 : i32
      %dma_wait3A_248 = tpu.memref_slice %arg3[%shift_right_logical3A_11, %dma_wait3A_246, %dma_wait3A_247] : memref<26x20x4096xi32, #tpu.memory_space<hbm>> -> memref<1x1x4096xi32, #tpu.memory_space<hbm>>
      %dma_wait3A_249 = tpu.memref_squeeze %dma_wait3A_248 : memref<1x1x4096xi32, #tpu.memory_space<hbm>> -> memref<4096xi32, #tpu.memory_space<hbm>>
      %dma_wait3A_250 = arith.constant 0 : i32
      %dma_wait3A_251 = tpu.memref_slice %arg3[%shift_right_logical3A_11, %dma_wait3A_246, %dma_wait3A_250] : memref<26x20x4096xi32, #tpu.memory_space<hbm>> -> memref<1x1x4096xi32, #tpu.memory_space<hbm>>
      %dma_wait3A_252 = tpu.memref_squeeze %dma_wait3A_251 : memref<1x1x4096xi32, #tpu.memory_space<hbm>> -> memref<4096xi32, #tpu.memory_space<hbm>>
      tpu.wait_dma2 semaphore(%arg11 : memref<!tpu.dma_semaphore, #tpu.memory_space<semaphore_mem>>) src(%dma_wait3A_252 : memref<4096xi32, #tpu.memory_space<hbm>>) dst(%arg6 : memref<4096xi32, #tpu.memory_space<vmem>>)
      %dma_wait3A_253 = arith.constant 17 : i32
      %dma_wait3A_254 = arith.constant 0 : i32
      %dma_wait3A_255 = tpu.memref_slice %arg3[%shift_right_logical3A_11, %dma_wait3A_253, %dma_wait3A_254] : memref<26x20x4096xi32, #tpu.memory_space<hbm>> -> memref<1x1x4096xi32, #tpu.memory_space<hbm>>
      %dma_wait3A_256 = tpu.memref_squeeze %dma_wait3A_255 : memref<1x1x4096xi32, #tpu.memory_space<hbm>> -> memref<4096xi32, #tpu.memory_space<hbm>>
      %dma_wait3A_257 = arith.constant 0 : i32
      %dma_wait3A_258 = tpu.memref_slice %arg3[%shift_right_logical3A_11, %dma_wait3A_253, %dma_wait3A_257] : memref<26x20x4096xi32, #tpu.memory_space<hbm>> -> memref<1x1x4096xi32, #tpu.memory_space<hbm>>
      %dma_wait3A_259 = tpu.memref_squeeze %dma_wait3A_258 : memref<1x1x4096xi32, #tpu.memory_space<hbm>> -> memref<4096xi32, #tpu.memory_space<hbm>>
      tpu.wait_dma2 semaphore(%arg11 : memref<!tpu.dma_semaphore, #tpu.memory_space<semaphore_mem>>) src(%dma_wait3A_259 : memref<4096xi32, #tpu.memory_space<hbm>>) dst(%arg7 : memref<4096xi32, #tpu.memory_space<vmem>>)
      %dma_start3A_260 = arith.constant 18 : i32
      %dma_start3A_261 = arith.constant 0 : i32
      %dma_start3A_262 = tpu.memref_slice %arg3[%shift_right_logical3A_11, %dma_start3A_260, %dma_start3A_261] : memref<26x20x4096xi32, #tpu.memory_space<hbm>> -> memref<1x1x4096xi32, #tpu.memory_space<hbm>>
      %dma_start3A_263 = tpu.memref_squeeze %dma_start3A_262 : memref<1x1x4096xi32, #tpu.memory_space<hbm>> -> memref<4096xi32, #tpu.memory_space<hbm>>
      %dma_start3A_264 = arith.constant 0 : i32
      %dma_start3A_265 = tpu.memref_slice %arg3[%shift_right_logical3A_11, %dma_start3A_260, %dma_start3A_264] : memref<26x20x4096xi32, #tpu.memory_space<hbm>> -> memref<1x1x4096xi32, #tpu.memory_space<hbm>>
      %dma_start3A_266 = tpu.memref_squeeze %dma_start3A_265 : memref<1x1x4096xi32, #tpu.memory_space<hbm>> -> memref<4096xi32, #tpu.memory_space<hbm>>
      tpu.enqueue_dma source(%dma_start3A_266 : memref<4096xi32, #tpu.memory_space<hbm>>) target(%arg8 : memref<4096xi32, #tpu.memory_space<vmem>>) target_semaphore(%arg11 : memref<!tpu.dma_semaphore, #tpu.memory_space<semaphore_mem>>)
      %dma_start3A_267 = arith.constant 19 : i32
      %dma_start3A_268 = arith.constant 0 : i32
      %dma_start3A_269 = tpu.memref_slice %arg3[%shift_right_logical3A_11, %dma_start3A_267, %dma_start3A_268] : memref<26x20x4096xi32, #tpu.memory_space<hbm>> -> memref<1x1x4096xi32, #tpu.memory_space<hbm>>
      %dma_start3A_270 = tpu.memref_squeeze %dma_start3A_269 : memref<1x1x4096xi32, #tpu.memory_space<hbm>> -> memref<4096xi32, #tpu.memory_space<hbm>>
      %dma_start3A_271 = arith.constant 0 : i32
      %dma_start3A_272 = tpu.memref_slice %arg3[%shift_right_logical3A_11, %dma_start3A_267, %dma_start3A_271] : memref<26x20x4096xi32, #tpu.memory_space<hbm>> -> memref<1x1x4096xi32, #tpu.memory_space<hbm>>
      %dma_start3A_273 = tpu.memref_squeeze %dma_start3A_272 : memref<1x1x4096xi32, #tpu.memory_space<hbm>> -> memref<4096xi32, #tpu.memory_space<hbm>>
      tpu.enqueue_dma source(%dma_start3A_273 : memref<4096xi32, #tpu.memory_space<hbm>>) target(%arg9 : memref<4096xi32, #tpu.memory_space<vmem>>) target_semaphore(%arg11 : memref<!tpu.dma_semaphore, #tpu.memory_space<semaphore_mem>>)
      %parallel_loop3A_274 = arith.constant 0 : i32
      %parallel_loop3A_275 = arith.constant 64 : i32
      %parallel_loop3A_276 = arith.constant 1 : i32
      scf.for %parallel_loop3A_294 = %parallel_loop3A_274 to %parallel_loop3A_275 step %parallel_loop3A_276  : i32 {
        %parallel_loop3A_295 = arith.constant 4 : i32
        %parallel_loop3A_296 = arith.muli %parallel_loop3A_295, %parallel_loop3A_294 : i32
        %parallel_loop3A_297 = arith.constant 0 : i32
        %parallel_loop3A_298 = arith.addi %parallel_loop3A_296, %parallel_loop3A_297 : i32
        %parallel_loop3A_299 = arith.constant 16 : i32
        %parallel_loop3A_300 = arith.muli %parallel_loop3A_298, %parallel_loop3A_299 : i32
        %parallel_loop3A_301 = arith.constant 4 : i32
        %parallel_loop3A_302 = arith.muli %parallel_loop3A_301, %parallel_loop3A_294 : i32
        %parallel_loop3A_303 = arith.constant 1 : i32
        %parallel_loop3A_304 = arith.addi %parallel_loop3A_302, %parallel_loop3A_303 : i32
        %parallel_loop3A_305 = arith.constant 16 : i32
        %parallel_loop3A_306 = arith.muli %parallel_loop3A_304, %parallel_loop3A_305 : i32
        %parallel_loop3A_307 = arith.constant 4 : i32
        %parallel_loop3A_308 = arith.muli %parallel_loop3A_307, %parallel_loop3A_294 : i32
        %parallel_loop3A_309 = arith.constant 2 : i32
        %parallel_loop3A_310 = arith.addi %parallel_loop3A_308, %parallel_loop3A_309 : i32
        %parallel_loop3A_311 = arith.constant 16 : i32
        %parallel_loop3A_312 = arith.muli %parallel_loop3A_310, %parallel_loop3A_311 : i32
        %parallel_loop3A_313 = arith.constant 4 : i32
        %parallel_loop3A_314 = arith.muli %parallel_loop3A_313, %parallel_loop3A_294 : i32
        %parallel_loop3A_315 = arith.constant 3 : i32
        %parallel_loop3A_316 = arith.addi %parallel_loop3A_314, %parallel_loop3A_315 : i32
        %parallel_loop3A_317 = arith.constant 16 : i32
        %parallel_loop3A_318 = arith.muli %parallel_loop3A_316, %parallel_loop3A_317 : i32
        %parallel_loop3A_319 = arith.index_cast %parallel_loop3A_300 : i32 to index
        %parallel_loop3A_320 = tpu.vector_load %arg6[%parallel_loop3A_319] {strides = array<i32>} : memref<4096xi32, #tpu.memory_space<vmem>>, vector<16xi32>,
        %parallel_loop3A_321 = arith.index_cast %parallel_loop3A_306 : i32 to index
        %parallel_loop3A_322 = tpu.vector_load %arg6[%parallel_loop3A_321] {strides = array<i32>} : memref<4096xi32, #tpu.memory_space<vmem>>, vector<16xi32>,
        %parallel_loop3A_323 = arith.index_cast %parallel_loop3A_312 : i32 to index
        %parallel_loop3A_324 = tpu.vector_load %arg6[%parallel_loop3A_323] {strides = array<i32>} : memref<4096xi32, #tpu.memory_space<vmem>>, vector<16xi32>,
        %parallel_loop3A_325 = arith.index_cast %parallel_loop3A_318 : i32 to index
        %parallel_loop3A_326 = tpu.vector_load %arg6[%parallel_loop3A_325] {strides = array<i32>} : memref<4096xi32, #tpu.memory_space<vmem>>, vector<16xi32>,
        %parallel_loop3A_327 = arith.index_cast %parallel_loop3A_300 : i32 to index
        %parallel_loop3A_328 = tpu.vector_load %arg7[%parallel_loop3A_327] {strides = array<i32>} : memref<4096xi32, #tpu.memory_space<vmem>>, vector<16xi32>,
        %parallel_loop3A_329 = arith.index_cast %parallel_loop3A_306 : i32 to index
        %parallel_loop3A_330 = tpu.vector_load %arg7[%parallel_loop3A_329] {strides = array<i32>} : memref<4096xi32, #tpu.memory_space<vmem>>, vector<16xi32>,
        %parallel_loop3A_331 = arith.index_cast %parallel_loop3A_312 : i32 to index
        %parallel_loop3A_332 = tpu.vector_load %arg7[%parallel_loop3A_331] {strides = array<i32>} : memref<4096xi32, #tpu.memory_space<vmem>>, vector<16xi32>,
        %parallel_loop3A_333 = arith.index_cast %parallel_loop3A_318 : i32 to index
        %parallel_loop3A_334 = tpu.vector_load %arg7[%parallel_loop3A_333] {strides = array<i32>} : memref<4096xi32, #tpu.memory_space<vmem>>, vector<16xi32>,
        %parallel_loop3A_335 = tpu.vector_load_idx %arg5[%parallel_loop3A_320] : memref<100000xf32, #tpu.memory_space<vmem>>[vector<16xi32>], vector<16xf32>,
        %parallel_loop3A_336 = tpu.vector_load_idx %arg5[%parallel_loop3A_322] : memref<100000xf32, #tpu.memory_space<vmem>>[vector<16xi32>], vector<16xf32>,
        %parallel_loop3A_337 = tpu.vector_load_idx %arg5[%parallel_loop3A_324] : memref<100000xf32, #tpu.memory_space<vmem>>[vector<16xi32>], vector<16xf32>,
        %parallel_loop3A_338 = tpu.vector_load_idx %arg5[%parallel_loop3A_326] : memref<100000xf32, #tpu.memory_space<vmem>>[vector<16xi32>], vector<16xf32>,
        %parallel_loop3A_339 = tpu.vector_load_idx %arg5[%parallel_loop3A_328] : memref<100000xf32, #tpu.memory_space<vmem>>[vector<16xi32>], vector<16xf32>,
        %parallel_loop3A_340 = tpu.vector_load_idx %arg5[%parallel_loop3A_330] : memref<100000xf32, #tpu.memory_space<vmem>>[vector<16xi32>], vector<16xf32>,
        %parallel_loop3A_341 = tpu.vector_load_idx %arg5[%parallel_loop3A_332] : memref<100000xf32, #tpu.memory_space<vmem>>[vector<16xi32>], vector<16xf32>,
        %parallel_loop3A_342 = tpu.vector_load_idx %arg5[%parallel_loop3A_334] : memref<100000xf32, #tpu.memory_space<vmem>>[vector<16xi32>], vector<16xf32>,
        %parallel_loop3A_343 = arith.addf %parallel_loop3A_335, %parallel_loop3A_339 : vector<16xf32>
        %parallel_loop3A_344 = arith.addf %parallel_loop3A_336, %parallel_loop3A_340 : vector<16xf32>
        %parallel_loop3A_345 = arith.addf %parallel_loop3A_337, %parallel_loop3A_341 : vector<16xf32>
        %parallel_loop3A_346 = arith.addf %parallel_loop3A_338, %parallel_loop3A_342 : vector<16xf32>
        %parallel_loop3A_347 = arith.index_cast %parallel_loop3A_300 : i32 to index
        %parallel_loop3A_348 = tpu.vector_load %arg10[%parallel_loop3A_347] {strides = array<i32>} : memref<4096xf32, #tpu.memory_space<vmem>>, vector<16xf32>,
        tpu.vector_store %arg10[%parallel_loop3A_347], %parallel_loop3A_343 {add = true, strides = array<i32>} : memref<4096xf32, #tpu.memory_space<vmem>>, vector<16xf32>,
        %parallel_loop3A_349 = arith.index_cast %parallel_loop3A_306 : i32 to index
        %parallel_loop3A_350 = tpu.vector_load %arg10[%parallel_loop3A_349] {strides = array<i32>} : memref<4096xf32, #tpu.memory_space<vmem>>, vector<16xf32>,
        tpu.vector_store %arg10[%parallel_loop3A_349], %parallel_loop3A_344 {add = true, strides = array<i32>} : memref<4096xf32, #tpu.memory_space<vmem>>, vector<16xf32>,
        %parallel_loop3A_351 = arith.index_cast %parallel_loop3A_312 : i32 to index
        %parallel_loop3A_352 = tpu.vector_load %arg10[%parallel_loop3A_351] {strides = array<i32>} : memref<4096xf32, #tpu.memory_space<vmem>>, vector<16xf32>,
        tpu.vector_store %arg10[%parallel_loop3A_351], %parallel_loop3A_345 {add = true, strides = array<i32>} : memref<4096xf32, #tpu.memory_space<vmem>>, vector<16xf32>,
        %parallel_loop3A_353 = arith.index_cast %parallel_loop3A_318 : i32 to index
        %parallel_loop3A_354 = tpu.vector_load %arg10[%parallel_loop3A_353] {strides = array<i32>} : memref<4096xf32, #tpu.memory_space<vmem>>, vector<16xf32>,
        tpu.vector_store %arg10[%parallel_loop3A_353], %parallel_loop3A_346 {add = true, strides = array<i32>} : memref<4096xf32, #tpu.memory_space<vmem>>, vector<16xf32>,
      } {sc.loop_unroll_factor = 2 : i64, sc.parallel_access}
      %dma_wait3A_277 = arith.constant 18 : i32
      %dma_wait3A_278 = arith.constant 0 : i32
      %dma_wait3A_279 = tpu.memref_slice %arg3[%shift_right_logical3A_11, %dma_wait3A_277, %dma_wait3A_278] : memref<26x20x4096xi32, #tpu.memory_space<hbm>> -> memref<1x1x4096xi32, #tpu.memory_space<hbm>>
      %dma_wait3A_280 = tpu.memref_squeeze %dma_wait3A_279 : memref<1x1x4096xi32, #tpu.memory_space<hbm>> -> memref<4096xi32, #tpu.memory_space<hbm>>
      %dma_wait3A_281 = arith.constant 0 : i32
      %dma_wait3A_282 = tpu.memref_slice %arg3[%shift_right_logical3A_11, %dma_wait3A_277, %dma_wait3A_281] : memref<26x20x4096xi32, #tpu.memory_space<hbm>> -> memref<1x1x4096xi32, #tpu.memory_space<hbm>>
      %dma_wait3A_283 = tpu.memref_squeeze %dma_wait3A_282 : memref<1x1x4096xi32, #tpu.memory_space<hbm>> -> memref<4096xi32, #tpu.memory_space<hbm>>
      tpu.wait_dma2 semaphore(%arg11 : memref<!tpu.dma_semaphore, #tpu.memory_space<semaphore_mem>>) src(%dma_wait3A_283 : memref<4096xi32, #tpu.memory_space<hbm>>) dst(%arg8 : memref<4096xi32, #tpu.memory_space<vmem>>)
      %dma_wait3A_284 = arith.constant 19 : i32
      %dma_wait3A_285 = arith.constant 0 : i32
      %dma_wait3A_286 = tpu.memref_slice %arg3[%shift_right_logical3A_11, %dma_wait3A_284, %dma_wait3A_285] : memref<26x20x4096xi32, #tpu.memory_space<hbm>> -> memref<1x1x4096xi32, #tpu.memory_space<hbm>>
      %dma_wait3A_287 = tpu.memref_squeeze %dma_wait3A_286 : memref<1x1x4096xi32, #tpu.memory_space<hbm>> -> memref<4096xi32, #tpu.memory_space<hbm>>
      %dma_wait3A_288 = arith.constant 0 : i32
      %dma_wait3A_289 = tpu.memref_slice %arg3[%shift_right_logical3A_11, %dma_wait3A_284, %dma_wait3A_288] : memref<26x20x4096xi32, #tpu.memory_space<hbm>> -> memref<1x1x4096xi32, #tpu.memory_space<hbm>>
      %dma_wait3A_290 = tpu.memref_squeeze %dma_wait3A_289 : memref<1x1x4096xi32, #tpu.memory_space<hbm>> -> memref<4096xi32, #tpu.memory_space<hbm>>
      tpu.wait_dma2 semaphore(%arg11 : memref<!tpu.dma_semaphore, #tpu.memory_space<semaphore_mem>>) src(%dma_wait3A_290 : memref<4096xi32, #tpu.memory_space<hbm>>) dst(%arg9 : memref<4096xi32, #tpu.memory_space<vmem>>)
      %parallel_loop3A_291 = arith.constant 0 : i32
      %parallel_loop3A_292 = arith.constant 64 : i32
      %parallel_loop3A_293 = arith.constant 1 : i32
      scf.for %parallel_loop3A_294 = %parallel_loop3A_291 to %parallel_loop3A_292 step %parallel_loop3A_293  : i32 {
        %parallel_loop3A_295 = arith.constant 4 : i32
        %parallel_loop3A_296 = arith.muli %parallel_loop3A_295, %parallel_loop3A_294 : i32
        %parallel_loop3A_297 = arith.constant 0 : i32
        %parallel_loop3A_298 = arith.addi %parallel_loop3A_296, %parallel_loop3A_297 : i32
        %parallel_loop3A_299 = arith.constant 16 : i32
        %parallel_loop3A_300 = arith.muli %parallel_loop3A_298, %parallel_loop3A_299 : i32
        %parallel_loop3A_301 = arith.constant 4 : i32
        %parallel_loop3A_302 = arith.muli %parallel_loop3A_301, %parallel_loop3A_294 : i32
        %parallel_loop3A_303 = arith.constant 1 : i32
        %parallel_loop3A_304 = arith.addi %parallel_loop3A_302, %parallel_loop3A_303 : i32
        %parallel_loop3A_305 = arith.constant 16 : i32
        %parallel_loop3A_306 = arith.muli %parallel_loop3A_304, %parallel_loop3A_305 : i32
        %parallel_loop3A_307 = arith.constant 4 : i32
        %parallel_loop3A_308 = arith.muli %parallel_loop3A_307, %parallel_loop3A_294 : i32
        %parallel_loop3A_309 = arith.constant 2 : i32
        %parallel_loop3A_310 = arith.addi %parallel_loop3A_308, %parallel_loop3A_309 : i32
        %parallel_loop3A_311 = arith.constant 16 : i32
        %parallel_loop3A_312 = arith.muli %parallel_loop3A_310, %parallel_loop3A_311 : i32
        %parallel_loop3A_313 = arith.constant 4 : i32
        %parallel_loop3A_314 = arith.muli %parallel_loop3A_313, %parallel_loop3A_294 : i32
        %parallel_loop3A_315 = arith.constant 3 : i32
        %parallel_loop3A_316 = arith.addi %parallel_loop3A_314, %parallel_loop3A_315 : i32
        %parallel_loop3A_317 = arith.constant 16 : i32
        %parallel_loop3A_318 = arith.muli %parallel_loop3A_316, %parallel_loop3A_317 : i32
        %parallel_loop3A_319 = arith.index_cast %parallel_loop3A_300 : i32 to index
        %parallel_loop3A_320 = tpu.vector_load %arg8[%parallel_loop3A_319] {strides = array<i32>} : memref<4096xi32, #tpu.memory_space<vmem>>, vector<16xi32>,
        %parallel_loop3A_321 = arith.index_cast %parallel_loop3A_306 : i32 to index
        %parallel_loop3A_322 = tpu.vector_load %arg8[%parallel_loop3A_321] {strides = array<i32>} : memref<4096xi32, #tpu.memory_space<vmem>>, vector<16xi32>,
        %parallel_loop3A_323 = arith.index_cast %parallel_loop3A_312 : i32 to index
        %parallel_loop3A_324 = tpu.vector_load %arg8[%parallel_loop3A_323] {strides = array<i32>} : memref<4096xi32, #tpu.memory_space<vmem>>, vector<16xi32>,
        %parallel_loop3A_325 = arith.index_cast %parallel_loop3A_318 : i32 to index
        %parallel_loop3A_326 = tpu.vector_load %arg8[%parallel_loop3A_325] {strides = array<i32>} : memref<4096xi32, #tpu.memory_space<vmem>>, vector<16xi32>,
        %parallel_loop3A_327 = arith.index_cast %parallel_loop3A_300 : i32 to index
        %parallel_loop3A_328 = tpu.vector_load %arg9[%parallel_loop3A_327] {strides = array<i32>} : memref<4096xi32, #tpu.memory_space<vmem>>, vector<16xi32>,
        %parallel_loop3A_329 = arith.index_cast %parallel_loop3A_306 : i32 to index
        %parallel_loop3A_330 = tpu.vector_load %arg9[%parallel_loop3A_329] {strides = array<i32>} : memref<4096xi32, #tpu.memory_space<vmem>>, vector<16xi32>,
        %parallel_loop3A_331 = arith.index_cast %parallel_loop3A_312 : i32 to index
        %parallel_loop3A_332 = tpu.vector_load %arg9[%parallel_loop3A_331] {strides = array<i32>} : memref<4096xi32, #tpu.memory_space<vmem>>, vector<16xi32>,
        %parallel_loop3A_333 = arith.index_cast %parallel_loop3A_318 : i32 to index
        %parallel_loop3A_334 = tpu.vector_load %arg9[%parallel_loop3A_333] {strides = array<i32>} : memref<4096xi32, #tpu.memory_space<vmem>>, vector<16xi32>,
        %parallel_loop3A_335 = tpu.vector_load_idx %arg5[%parallel_loop3A_320] : memref<100000xf32, #tpu.memory_space<vmem>>[vector<16xi32>], vector<16xf32>,
        %parallel_loop3A_336 = tpu.vector_load_idx %arg5[%parallel_loop3A_322] : memref<100000xf32, #tpu.memory_space<vmem>>[vector<16xi32>], vector<16xf32>,
        %parallel_loop3A_337 = tpu.vector_load_idx %arg5[%parallel_loop3A_324] : memref<100000xf32, #tpu.memory_space<vmem>>[vector<16xi32>], vector<16xf32>,
        %parallel_loop3A_338 = tpu.vector_load_idx %arg5[%parallel_loop3A_326] : memref<100000xf32, #tpu.memory_space<vmem>>[vector<16xi32>], vector<16xf32>,
        %parallel_loop3A_339 = tpu.vector_load_idx %arg5[%parallel_loop3A_328] : memref<100000xf32, #tpu.memory_space<vmem>>[vector<16xi32>], vector<16xf32>,
        %parallel_loop3A_340 = tpu.vector_load_idx %arg5[%parallel_loop3A_330] : memref<100000xf32, #tpu.memory_space<vmem>>[vector<16xi32>], vector<16xf32>,
        %parallel_loop3A_341 = tpu.vector_load_idx %arg5[%parallel_loop3A_332] : memref<100000xf32, #tpu.memory_space<vmem>>[vector<16xi32>], vector<16xf32>,
        %parallel_loop3A_342 = tpu.vector_load_idx %arg5[%parallel_loop3A_334] : memref<100000xf32, #tpu.memory_space<vmem>>[vector<16xi32>], vector<16xf32>,
        %parallel_loop3A_343 = arith.addf %parallel_loop3A_335, %parallel_loop3A_339 : vector<16xf32>
        %parallel_loop3A_344 = arith.addf %parallel_loop3A_336, %parallel_loop3A_340 : vector<16xf32>
        %parallel_loop3A_345 = arith.addf %parallel_loop3A_337, %parallel_loop3A_341 : vector<16xf32>
        %parallel_loop3A_346 = arith.addf %parallel_loop3A_338, %parallel_loop3A_342 : vector<16xf32>
        %parallel_loop3A_347 = arith.index_cast %parallel_loop3A_300 : i32 to index
        %parallel_loop3A_348 = tpu.vector_load %arg10[%parallel_loop3A_347] {strides = array<i32>} : memref<4096xf32, #tpu.memory_space<vmem>>, vector<16xf32>,
        tpu.vector_store %arg10[%parallel_loop3A_347], %parallel_loop3A_343 {add = true, strides = array<i32>} : memref<4096xf32, #tpu.memory_space<vmem>>, vector<16xf32>,
        %parallel_loop3A_349 = arith.index_cast %parallel_loop3A_306 : i32 to index
        %parallel_loop3A_350 = tpu.vector_load %arg10[%parallel_loop3A_349] {strides = array<i32>} : memref<4096xf32, #tpu.memory_space<vmem>>, vector<16xf32>,
        tpu.vector_store %arg10[%parallel_loop3A_349], %parallel_loop3A_344 {add = true, strides = array<i32>} : memref<4096xf32, #tpu.memory_space<vmem>>, vector<16xf32>,
        %parallel_loop3A_351 = arith.index_cast %parallel_loop3A_312 : i32 to index
        %parallel_loop3A_352 = tpu.vector_load %arg10[%parallel_loop3A_351] {strides = array<i32>} : memref<4096xf32, #tpu.memory_space<vmem>>, vector<16xf32>,
        tpu.vector_store %arg10[%parallel_loop3A_351], %parallel_loop3A_345 {add = true, strides = array<i32>} : memref<4096xf32, #tpu.memory_space<vmem>>, vector<16xf32>,
        %parallel_loop3A_353 = arith.index_cast %parallel_loop3A_318 : i32 to index
        %parallel_loop3A_354 = tpu.vector_load %arg10[%parallel_loop3A_353] {strides = array<i32>} : memref<4096xf32, #tpu.memory_space<vmem>>, vector<16xf32>,
        tpu.vector_store %arg10[%parallel_loop3A_353], %parallel_loop3A_346 {add = true, strides = array<i32>} : memref<4096xf32, #tpu.memory_space<vmem>>, vector<16xf32>,
      } {sc.loop_unroll_factor = 2 : i64, sc.parallel_access}
      "tpu.region"() ({
        %run_scoped3A_294 = tpu.sem_alloc : memref<!tpu.dma_semaphore, #tpu.memory_space<semaphore_mem>>
        %dma_start3A_295 = arith.constant 0 : i32
        %dma_start3A_296 = tpu.memref_slice %arg4[%shift_right_logical3A_11, %and3A_12, %dma_start3A_295] : memref<26x32x4096xf32, #tpu.memory_space<hbm>> -> memref<1x1x4096xf32, #tpu.memory_space<hbm>>
        %dma_start3A_297 = tpu.memref_squeeze %dma_start3A_296 : memref<1x1x4096xf32, #tpu.memory_space<hbm>> -> memref<4096xf32, #tpu.memory_space<hbm>>
        %dma_start3A_298 = arith.constant 0 : i32
        %dma_start3A_299 = tpu.memref_slice %arg4[%shift_right_logical3A_11, %and3A_12, %dma_start3A_298] : memref<26x32x4096xf32, #tpu.memory_space<hbm>> -> memref<1x1x4096xf32, #tpu.memory_space<hbm>>
        %dma_start3A_300 = tpu.memref_squeeze %dma_start3A_299 : memref<1x1x4096xf32, #tpu.memory_space<hbm>> -> memref<4096xf32, #tpu.memory_space<hbm>>
        tpu.enqueue_dma source(%arg10 : memref<4096xf32, #tpu.memory_space<vmem>>) target(%dma_start3A_300 : memref<4096xf32, #tpu.memory_space<hbm>>) target_semaphore(%run_scoped3A_294 : memref<!tpu.dma_semaphore, #tpu.memory_space<semaphore_mem>>)
        %dma_wait3A_301 = arith.constant 0 : i32
        %dma_wait3A_302 = tpu.memref_slice %arg4[%shift_right_logical3A_11, %and3A_12, %dma_wait3A_301] : memref<26x32x4096xf32, #tpu.memory_space<hbm>> -> memref<1x1x4096xf32, #tpu.memory_space<hbm>>
        %dma_wait3A_303 = tpu.memref_squeeze %dma_wait3A_302 : memref<1x1x4096xf32, #tpu.memory_space<hbm>> -> memref<4096xf32, #tpu.memory_space<hbm>>
        %dma_wait3A_304 = arith.constant 0 : i32
        %dma_wait3A_305 = tpu.memref_slice %arg4[%shift_right_logical3A_11, %and3A_12, %dma_wait3A_304] : memref<26x32x4096xf32, #tpu.memory_space<hbm>> -> memref<1x1x4096xf32, #tpu.memory_space<hbm>>
        %dma_wait3A_306 = tpu.memref_squeeze %dma_wait3A_305 : memref<1x1x4096xf32, #tpu.memory_space<hbm>> -> memref<4096xf32, #tpu.memory_space<hbm>>
        tpu.wait_dma2 semaphore(%run_scoped3A_294 : memref<!tpu.dma_semaphore, #tpu.memory_space<semaphore_mem>>) src(%arg10 : memref<4096xf32, #tpu.memory_space<vmem>>) dst(%dma_wait3A_306 : memref<4096xf32, #tpu.memory_space<hbm>>)
        tpu.yield
      }) : () -> ()
    }
    %scan3A_6 = arith.constant 26 : i32
    return
  }
}

</mosaic_0001>

<sc_bundles>
// kernel: kernel.3.cloned.1.call-start
scs
__scs_entry_jumppad:
0x0: {  	(pc) =	sbr.rel $0x88, $3  }
0x1: {  	(tag) =	ssettag $0x0;
	lr =	simm.s32 $0x1  }
0x2: {  	[smem:$0x3F9F] =	sst lr;
	_ =	strace $0xD0000000  }
0x3: {  	_ = 	snop  }
0x4: {  	_ = 	snop  }
0x5: {  	_ = 	snop  }
0x6: {  	_ = 	snop  }
0x7: {  	_ = 	snop  }
__scs_overlays_trampoline_lowered:
0x8: {  	[smem:$0x3FAE] =	sst s0  }
0x9: {  	[smem:$0x3FAF] =	sst s1  }
0xa: {  	[smem:$0x3FB0] =	sst s2  }
0xb: {  	[smem:$0x3FB1] =	sst s3  }
0xc: {  	[smem:$0x3FB2] =	sst s4  }
0xd: {  	[smem:$0x3FB3] =	sst s5  }
0xe: {  	[smem:$0x3FB4] =	sst s6  }
0xf: {  	[smem:$0x3FB5] =	sst s7  }
0x10: {  	[smem:$0x3FB6] =	sst s8  }
0x11: {  	[smem:$0x3FB7] =	sst s9;
	s0 =	simm.s32 @!p0 $0x0  }
0x12: {  	s1 =	sld [smem:$0x3F9D];
	s0 =	simm.s32 @p0 $0x1  }
0x13: {  	[smem:$0x3FB8] =	sst s0;
	s0 =	simm.s32 @!p1 $0x0  }
0x14: {  	s2 =	sld [smem:$0x3F9C];
	s0 =	simm.s32 @p1 $0x1  }
0x15: {  	[smem:$0x3FB9] =	sst s0;
	s0 =	simm.s32 @!p2 $0x0  }
0x16: {  	s3 =	sld [smem:$0x3FDB];
	s0 =	simm.s32 @p2 $0x1  }
0x17: {  	s4 =	simm.s32 $0x1BF5;
	[smem:$0x3FBB] =	sst s0  }
0x18: {  	s0 =	sld [smem:$0x3F9E];
	_ =	swait.ge [sflag:s4], $0x0  }
0x19: {  	s7 =	sld [smem:$0x3F9F]  }
0x1a: {  	s8 =	sadd.s32 $0xFFFFE003, lr  }
0x1b: {  	s9 =	sadd.s32 $0xFFFFFEF7, lr;
	s5 =	simm.s32 $0xFFFFFFFF;
	p2 =	slt.u32 s8, $0xFFFFF086  }
0x1c: {  	p1 =	slt.u32 s9, $0xF7A;
	s5 =	simm.s32 @!p2 $0x0  }
0x1d: {  	s5 =	simm.s32 @p1 $0x1;
	p0 =	seq.s32 s7, s2  }
0x1e: {  	s7 =	smul.u32 @!p0 $0xF7A, s2;
	p2 =	seq.s32 @!p0 s5, $0x0  }
0x1f: {  	s9 =	smul.u32 $0xF7A, s1;
	s8 =	simm.s32 @!p0 $0x1BF5;
	p2 =	por !p2, p0  }
0x20: {  	[sflag:s8] =	ssyncset.s32 @!p0 $0xFFFFF086;
	s6 =	sadd.s32 @!p0 s3, s7;
	s7 =	simm.s32 @!p0 $0x108  }
0x21: {  	s3 =	sadd.s32 s3, s9;
	s6 =	sadd.s32 @!p0 $0x88, s6;
	s7 =	simm.s32 @p2 $0x1082  }
0x22: {  	[simem:s7], [sflag:s8] =	dma.local @!p0 [hbm:s6], $0xF7A  }
0x23: {  	s9 =	sor.u32 $0xD0000000, s2;
	s6 =	simm.s32 $0x108;
	_ =	swait.ge @!p0 [sflag:s8], $0x0  }
0x24: {  	s3 =	sadd.s32 $0x88, s3;
	s6 =	simm.s32 @!p1 $0x1082;
	[sflag:s4] =	ssyncset.s32 $0xFFFFF086  }
0x25: {  	[simem:s6], [sflag:s4] =	dma.local [hbm:s3], $0xF7A  }
0x26: {  	[smem:$0x3F9F] =	sst s1;
	(tag) =	ssettag s2;
	_ =	strace s9  }
0x27: {  	s1 =	sld [smem:$0x3FAF]  }
0x28: {  	s2 =	sld [smem:$0x3FB0]  }
0x29: {  	s4 =	sld [smem:$0x3FB2]  }
0x2a: {  	p0 =	seq.s32 s5, $0x0;
	s5 =	sld [smem:$0x3FB3]  }
0x2b: {  	s6 =	sld [smem:$0x3FB4]  }
0x2c: {  	s7 =	sld [smem:$0x3FB5]  }
0x2d: {  	s3 =	simm.s32 $0x108;
	s8 =	sld [smem:$0x3FB6]  }
0x2e: {  	s3 =	simm.s32 @!p0 $0x1082;
	s9 =	sld [smem:$0x3FB7]  }
0x2f: {  	lr =	sadd.s32 s0, s3;
	s0 =	sld [smem:$0x3FAE]  }
0x30: {  	s3 =	sld [smem:$0x3FB1]  }
0x31: {  	[smem:$0x3FBA] =	sst s10  }
0x32: {  	s10 =	sld [smem:$0x3FB8];
	_ =	sdelay $0x3  }
0x33: {  	p0 =	seq.s32 s10, $0x1;
	s10 =	sld [smem:$0x3FBA];
	_ =	sdelay $0x3  }
0x34: {  	[smem:$0x3FBA] =	sst s10  }
0x35: {  	s10 =	sld [smem:$0x3FB9];
	_ =	sdelay $0x3  }
0x36: {  	p1 =	seq.s32 s10, $0x1;
	s10 =	sld [smem:$0x3FBA];
	_ =	sdelay $0x3  }
0x37: {  	[smem:$0x3FBA] =	sst s10  }
0x38: {  	s10 =	sld [smem:$0x3FBB]  }
0x39: {  	_ = 	snop;
	(pc) =	sbr.ind lr, $3  }
0x3a: {  	_ = 	snop  }
0x3b: {  	_ = 	snop  }
0x3c: {  	p2 =	seq.s32 s10, $0x1;
	s10 =	sld [smem:$0x3FBA]  }
0x3d: {  	_ =	shalt  }
0x3e: {  	_ =	shalt  }
0x3f: {  	_ =	shalt  }
0x40: {  	_ =	shalt  }
0x41: {  	_ =	shalt  }
0x42: {  	_ =	shalt  }
0x43: {  	_ =	shalt  }
0x44: {  	_ =	shalt  }
0x45: {  	_ =	shalt  }
0x46: {  	_ =	shalt  }
0x47: {  	_ =	shalt  }
0x48: {  	_ =	shalt  }
0x49: {  	_ =	shalt  }
0x4a: {  	_ =	shalt  }
0x4b: {  	_ =	shalt  }
0x4c: {  	_ =	shalt  }
0x4d: {  	_ =	shalt  }
0x4e: {  	_ =	shalt  }
0x4f: {  	_ =	shalt  }
0x50: {  	_ =	shalt  }
0x51: {  	_ =	shalt  }
0x52: {  	_ =	shalt  }
0x53: {  	_ =	shalt  }
0x54: {  	_ =	shalt  }
0x55: {  	_ =	shalt  }
0x56: {  	_ =	shalt  }
0x57: {  	_ =	shalt  }
0x58: {  	_ =	shalt  }
0x59: {  	_ =	shalt  }
0x5a: {  	_ =	shalt  }
0x5b: {  	_ =	shalt  }
0x5c: {  	_ =	shalt  }
0x5d: {  	_ =	shalt  }
0x5e: {  	_ =	shalt  }
0x5f: {  	_ =	shalt  }
0x60: {  	_ =	shalt  }
0x61: {  	_ =	shalt  }
0x62: {  	_ =	shalt  }
0x63: {  	_ =	shalt  }
0x64: {  	_ =	shalt  }
0x65: {  	_ =	shalt  }
0x66: {  	_ =	shalt  }
0x67: {  	_ =	shalt  }
0x68: {  	_ =	shalt  }
0x69: {  	_ =	shalt  }
0x6a: {  	_ =	shalt  }
0x6b: {  	_ =	shalt  }
0x6c: {  	_ =	shalt  }
0x6d: {  	_ =	shalt  }
0x6e: {  	_ =	shalt  }
0x6f: {  	_ =	shalt  }
0x70: {  	_ =	shalt  }
0x71: {  	_ =	shalt  }
0x72: {  	_ =	shalt  }
0x73: {  	_ =	shalt  }
0x74: {  	_ =	shalt  }
0x75: {  	_ =	shalt  }
0x76: {  	_ =	shalt  }
0x77: {  	_ =	shalt  }
0x78: {  	_ =	shalt  }
0x79: {  	_ =	shalt  }
0x7a: {  	_ =	shalt  }
0x7b: {  	_ =	shalt  }
0x7c: {  	_ =	shalt  }
0x7d: {  	_ =	shalt  }
0x7e: {  	_ =	shalt  }
0x7f: {  	_ =	shalt  }
0x80: {  	_ =	shalt  }
0x81: {  	_ =	shalt  }
0x82: {  	_ =	shalt  }
0x83: {  	_ =	shalt  }
0x84: {  	_ =	shalt  }
0x85: {  	_ =	shalt  }
0x86: {  	_ =	shalt  }
0x87: {  	_ =	shalt  }
.Lfunc_end0:
.L_simem_size_0:
called_computation_lowered:
.L_overlay_start_0:
0x88: {  	s2 =	sld [smem:$0x3FD9]  }
0x89: {  	s3 =	sld [smem:$0x3FFE];
	_ =	sdelay $0x1  }
0x8a: {  	s1 =	srdreg.scid  }
0x8b: {  	s0 =	sand.u32 $0x1, s1  }
0x8c: {  	s18 =	sshll.u32 s0, $0xA;
	s2 =	sadd.s32 s3, s2  }
0x8d: {  	s2 =	sadd.s32 s2, s18  }
0x8e: {  	[smem:$0x3FC6] =	sst s2  }
0x8f: {  	_ = 	snop  }
0x90: {  	s2 =	sld [smem:$0x3FC9]  }
0x91: {  	s19 =	sld [smem:$0x3FC8]  }
0x92: {  	s4 =	sld [smem:$0x3FD0];
	(tm) =	ssettm $0x1  }
0x93: {  	s5 =	sld [smem:$0x3FFB];
	_ =	sdelay $0x3  }
0x94: {  	_ =	strace s5  }
0x95: {  	s5 =	sld [smem:$0x3FFC];
	_ =	sdelay $0x3  }
0x96: {  	_ =	strace s5  }
0x97: {  	s5 =	sld [smem:$0x3FFD];
	_ =	sdelay $0x3  }
0x98: {  	_ =	strace s5  }
0x99: {  	_ =	strace $0x8FFFFFFF  }
0x9a: {  	s20 =	sld [smem:$0x3FDB];
	_ =	sdelay $0x1  }
0x9b: {  	s6 =	simm.s32 $_scs_section_size  }
0x9c: {  	s7 =	simm.s32 $_size__tile_overlayer_lowered;
	s8 =	simm.s32 $_tile_overlayer_lowered  }
0x9d: {  	s23 =	simm.s32 $0x1BFF;
	s22 =	sshll.u32 s8, $0x1;
	s5 =	sadd.s32 s6, s20  }
0x9e: {  	s9 =	simm.s32 $0x0;
	s21 =	sshll.u32 s7, $0x1;
	s7 =	sadd.s32 s22, s5  }
0x9f: {  	[timem:s9], [sflag:s23] =	dma.local [hbm:s7], s21  }
0xa0: {  	_ =	swait.ge [sflag:s23], s21  }
0xa1: {  	s6 =	ssub.s32 $0x0, s21;
	[sflag:s23] =	ssyncset.done $0x0  }
0xa2: {  	[sflag:s23] =	ssyncadd.s32 s6;
	_ =	sdelay $0x1  }
0xa3: {  	s24 =	simm.s32 $0x1B8B  }
0xa4: {  	_ =	swait.ge [sflag:s24], $0x1  }
0xa5: {  	[sflag:s24] =	ssyncset.done $0x0  }
0xa6: {  	s25 =	simm.s32 $0x1B8E;
	[sflag:s24] =	ssyncadd.s32 $0xFFFFFFFF  }
0xa7: {  	s26 =	simm.s32 $execute0_lowered;
	[smem:$0x3FD2] =	sst s25  }
0xa8: {  	s6 =	sshll.u32 s26, $0x1;
	_ =	strace $0x80000046;
	[dreg:$0x1] =	wrdreg $0xFFFFFFFF  }
0xa9: {  	s28 =	simm.s32 $_size_execute0_lowered;
	s5 =	sadd.s32 s5, s6;
	[dreg:$0x0] =	wrdreg $0x0  }
0xaa: {  	s6 =	sshll.u32 s28, $0x1;
	[dreg:$0x2] =	wrdreg s5  }
0xab: {  	[dreg:$0x3] =	wrdreg s6  }
0xac: {  	[dreg:$0x4] =	wrdreg $0xC0  }
0xad: {  	_ =	task [dreg:s9], $0x5FFFF  }
0xae: {  	[dreg:$0x1] =	wrdreg $0xFFFFFFFF  }
0xaf: {  	[dreg:$0x0] =	wrdreg $0x60  }
0xb0: {  	[dreg:$0x2] =	wrdreg s19  }
0xb1: {  	[dreg:$0x3] =	wrdreg s2  }
0xb2: {  	[dreg:$0x4] =	wrdreg s4  }
0xb3: {  	[dreg:$0x5] =	wrdreg $0x9  }
0xb4: {  	_ =	task.clear_ibuf [dreg:s9], $0x6FFFF;
	_ =	strace $0x90000046  }
0xb5: {  	s29 =	simm.s32 $0x9;
	_ =	strace $0x80000048  }
0xb6: {  	_ =	swait.ge [sflag:s29], $0x1  }
0xb7: {  	[sflag:s29] =	ssyncadd.s32 $0xFFFFFFFF  }
0xb8: {  	_ =	strace $0x90000048  }
0xb9: {  	_ =	sfence  }
0xba: {  	s30 =	sld [smem:$0x0];
	_ =	sdelay $0x2  }
0xbb: {  	s31 =	sshll.u32 s1, $0xD;
	s1 =	sshrl.u32 s1, $0x2  }
0xbc: {  	s3 =	sand.u32 $0x4000, s31;
	s1 =	sadd.s32 s1, s30  }
0xbd: {  	s0 =	sor.u32 s3, s0;
	s1 =	sshll.u32 s1, $0x11  }
0xbe: {  	s0 =	sor.u32 s1, s0  }
0xbf: {  	s0 =	sadd.s32 $0x8F2B, s0  }
0xc0: {  	[sflag:s0] =	ssyncadd.remote.s32 $0x1  }
0xc1: {  	_ =	sfence.sel $0xFFFF  }
0xc2: {  	[dreg:$0x0] =	wrdreg $0xFFFFFFFF;
	(pc) =	sbr.abs _section_cstart, $3  }
0xc3: {  	[dreg:$0x1] =	wrdreg $0xFFFFFFFF  }
0xc4: {  	_ =	task.clear_ibuf [dreg:s9], $0x2FFFF;
	_ =	strace $0x9FFFFFFF  }
0xc5: {  	(tm) =	ssettm $0x7FFFFFFF  }
tec
execute0_lowered:
.L_overlay_start_1:
0x0: {  	(tag) =	ssettag $0x1  }
0x1: {  	s3 =	rddreg [dreg:$0x1]  }
0x2: {  	s4 =	rddreg [dreg:$0x2]  }
0x3: {  	s0 =	srdreg.scid;
	s2 =	stileid.u32;
	s5 =	simm.s32 $0x0  }
0x4: {  	s15 =	simm.s32 $0x80;
	s16 =	simm.s32 $0x400;
	s17 =	simm.s32 $0x2  }
0x5: {  	s18 =	simm.s32 $0x18700;
	s19 =	simm.s32 $0x19700;
	s20 =	simm.s32 $0x1A700  }
0x6: {  	s21 =	simm.s32 $0x1B700;
	s22 =	simm.s32 $0x1;
	s23 =	simm.s32 $0x1C700  }
0x7: {  	s24 =	simm.s32 $0x0;
	s0 =	sand.u32 $0x1, s0;
	s2 =	sshll.u32 s2, $0x1  }
0x8: {  	[smem:$0x7FF] =	sst s5;
	s7 =	sadd.s32 $0x10, s3;
	s8 =	sadd.s32 $0x20, s3  }
0x9: {  	s9 =	sadd.s32 $0x30, s3;
	s10 =	sadd.s32 $0x40, s3;
	s1 =	ssub.s32 $0x2, s0  }
0xa: {  	s11 =	sadd.s32 $0x50, s3;
	s12 =	sadd.s32 $0x60, s3;
	s6 =	sshrl.u32 s1, $0x1  }
0xb: {  	s13 =	sadd.s32 $0x70, s3;
	s0 =	sor.u32 s0, s2;
	s1 =	ssub.s32 s1, s6  }
0xc: {  	_ =	strace $0x80000047;
	s6 =	smul.u32 $0x1A, s0;
	s14 =	smax.u32 s1, $0x1  }
.LBB2_1:
0xd: {  	s0 =	rddreg [dreg:$0x0]  }
0xe: {  	[tilespmem:s5], [sflag:$0x2] =	stream.strided.gather [hbm4b:s0+s15], $0x18700, s16, s15, $0x38;
	[tilespmem:$0x1D700] =	vst v63  }
0xf: {  	_ =	swait.ge [sflag:s17], $0x18700  }
0x10: {  	[sflag:s17] =	ssyncset.done $0x0  }
0x11: {  	s25 =	simm.s32 $0x0;
	[sflag:s17] =	ssyncadd.s32 $0xFFFE7900  }
.LBB2_2:
0x12: {  	s26 =	sadd.s32 s6, s25  }
0x13: {  	s28 =	sshrl.u32 s26, $0x5  }
0x14: {  	s0 =	smul.u32 $0x18000, s28;
	_ =	sdelay $0x1  }
0x15: {  	s30 =	sshrl.u32 s0, $0x3  }
0x16: {  	s29 =	sadd.s32 s3, s30  }
0x17: {  	[tilespmem:s18], [sflag:$0x2] =	stream.strided.gather [hbm4b:s29+s15], $0x1000, s16, s15, $0x38;
	[tilespmem:$0x1D700] =	vst v63  }
0x18: {  	_ =	swait.ge [sflag:s17], $0x1000  }
0x19: {  	[sflag:s17] =	ssyncset.done $0x0  }
0x1a: {  	s0 =	sadd.s32 s30, s7;
	[sflag:s17] =	ssyncadd.s32 $0xFFFFF000  }
0x1b: {  	[tilespmem:s19], [sflag:$0x2] =	stream.strided.gather [hbm4b:s0+s15], $0x1000, s16, s15, $0x38;
	[tilespmem:$0x1D700] =	vst v63  }
0x1c: {  	_ =	swait.ge [sflag:s17], $0x1000  }
0x1d: {  	[sflag:s17] =	ssyncset.done $0x0  }
0x1e: {  	s2 =	sadd.s32 s30, s8;
	[sflag:s17] =	ssyncadd.s32 $0xFFFFF000  }
0x1f: {  	[tilespmem:s20], [sflag:$0x1] =	stream.strided.gather [hbm4b:s2+s15], $0x1000, s16, s15, $0x38;
	[tilespmem:$0x1D700] =	vst v63  }
0x20: {  	s1 =	sadd.s32 s30, s9;
	s2 =	simm.s32 $0x18740  }
0x21: {  	[tilespmem:s21], [sflag:$0x1] =	stream.strided.gather [hbm4b:s1+s15], $0x1000, s16, s15, $0x38;
	[tilespmem:$0x1D700] =	vst v63  }
0x22: {  	s31 =	simm.s32 $0x19740;
	v0 =	vld [tilespmem:s2+$0x30]  }
0x23: {  	v1 =	vld [tilespmem:s31+$0x30]  }
0x24: {  	v2 =	vld [tilespmem:s2+$0x0]  }
0x25: {  	v3 =	vld [tilespmem:s2+$0x10]  }
0x26: {  	v4 =	vld [tilespmem:s2+$0x20]  }
0x27: {  	v5 =	vld [tilespmem:s31+$0x0]  }
0x28: {  	v6 =	vld [tilespmem:s31+$0x10]  }
0x29: {  	v7 =	vld [tilespmem:s31+$0x20]  }
0x2a: {  	v12 =	vld [tilespmem:s31+$0xFFFFFFD0]  }
0x2b: {  	v13 =	vld [tilespmem:s31+$0xFFFFFFE0]  }
0x2c: {  	v15 =	vld [tilespmem:s2+$0xFFFFFFC0]  }
0x2d: {  	v8 =	vld.idx.msk [tilespmem:v0+s5+$0x0], $0xffff  }
0x2e: {  	v9 =	vld.idx.msk [tilespmem:v1+s5+$0x0], $0xffff  }
0x2f: {  	v0 =	vld [tilespmem:s2+$0xFFFFFFD0]  }
0x30: {  	v1 =	vld [tilespmem:s2+$0xFFFFFFE0]  }
0x31: {  	v2 =	vld.idx.msk [tilespmem:v2+s5+$0x0], $0xffff  }
0x32: {  	v10 =	vld.idx.msk [tilespmem:v3+s5+$0x0], $0xffff  }
0x33: {  	v11 =	vld.idx.msk [tilespmem:v4+s5+$0x0], $0xffff  }
0x34: {  	v4 =	vld.idx.msk [tilespmem:v5+s5+$0x0], $0xffff  }
0x35: {  	v5 =	vld.idx.msk [tilespmem:v6+s5+$0x0], $0xffff  }
0x36: {  	v6 =	vld.idx.msk [tilespmem:v7+s5+$0x0], $0xffff  }
0x37: {  	v3 =	vld [tilespmem:s2+$0xFFFFFFF0]  }
0x38: {  	v7 =	vld [tilespmem:s31+$0xFFFFFFC0]  }
0x39: {  	v14 =	vld [tilespmem:s31+$0xFFFFFFF0];
	v8 =	vadd.f32 v9, v8  }
0x3a: {  	s0 =	simm.s32 $0x1C740;
	v63 =	vadd.f32 v4, v2;
	v5 =	vadd.f32 v5, v10;
	v4 =	vld.idx.msk [tilespmem:v12+s5+$0x0], $0xffff  }
0x3b: {  	[tilespmem:s0+$0x30] =	vst v8;
	v8 =	vadd.f32 v6, v11;
	v6 =	vld.idx.msk [tilespmem:v13+s5+$0x0], $0xffff  }
0x3c: {  	[tilespmem:s0+$0x10] =	vst v5;
	v5 =	vld.idx.msk [tilespmem:v15+s5+$0x0], $0xffff  }
0x3d: {  	v0 =	vld.idx.msk [tilespmem:v0+s5+$0x0], $0xffff  }
0x3e: {  	v1 =	vld.idx.msk [tilespmem:v1+s5+$0x0], $0xffff  }
0x3f: {  	v3 =	vld.idx.msk [tilespmem:v3+s5+$0x0], $0xffff  }
0x40: {  	[tilespmem:s0+$0x0] =	vst v63;
	v2 =	vld.idx.msk [tilespmem:v7+s5+$0x0], $0xffff  }
0x41: {  	s1 =	simm.s32 $0x187C0;
	s2 =	simm.s32 $0x0;
	v7 =	vld.idx.msk [tilespmem:v14+s5+$0x0], $0xffff;
	[tilespmem:s0+$0x20] =	vst v8  }
.LBB2_3:
0x42: {  	v8 =	vld [tilespmem:s1+$0x30];
	s31 =	sadd.s32 $0x80, s31  }
0x43: {  	s2 =	sadd.s32 $0x2, s2;
	v9 =	vld [tilespmem:s31+$0x30]  }
0x44: {  	p0 =	slt.u32 s2, $0x3E;
	v0 =	vadd.f32 v4, v0;
	v10 =	vld [tilespmem:s1+$0x0]  }
0x45: {  	v1 =	vadd.f32 v6, v1;
	v4 =	vld [tilespmem:s1+$0x10]  }
0x46: {  	v3 =	vadd.f32 v7, v3;
	v6 =	vld [tilespmem:s1+$0x20];
	[tilespmem:s0+$0xFFFFFFD0] =	vst v0  }
0x47: {  	v2 =	vadd.f32 v2, v5;
	v0 =	vld [tilespmem:s31+$0x0];
	[tilespmem:s0+$0xFFFFFFE0] =	vst v1  }
0x48: {  	v1 =	vld [tilespmem:s31+$0x10];
	[tilespmem:s0+$0xFFFFFFF0] =	vst v3  }
0x49: {  	v3 =	vld [tilespmem:s31+$0x20];
	[tilespmem:s0+$0xFFFFFFC0] =	vst v2  }
0x4a: {  	v2 =	vld.idx.msk [tilespmem:v8+s5+$0x0], $0xffff  }
0x4b: {  	v5 =	vld.idx.msk [tilespmem:v9+s5+$0x0], $0xffff  }
0x4c: {  	v7 =	vld [tilespmem:s1+$0xFFFFFFD0]  }
0x4d: {  	v8 =	vld [tilespmem:s1+$0xFFFFFFE0]  }
0x4e: {  	v9 =	vld.idx.msk [tilespmem:v10+s5+$0x0], $0xffff  }
0x4f: {  	v4 =	vld.idx.msk [tilespmem:v4+s5+$0x0], $0xffff  }
0x50: {  	v6 =	vld.idx.msk [tilespmem:v6+s5+$0x0], $0xffff  }
0x51: {  	v2 =	vadd.f32 v5, v2;
	v0 =	vld.idx.msk [tilespmem:v0+s5+$0x0], $0xffff  }
0x52: {  	s0 =	sadd.s32 $0x80, s0;
	v1 =	vld.idx.msk [tilespmem:v1+s5+$0x0], $0xffff  }
0x53: {  	v3 =	vld.idx.msk [tilespmem:v3+s5+$0x0], $0xffff;
	[tilespmem:s0+$0x30] =	vst v2  }
0x54: {  	v2 =	vld [tilespmem:s1+$0xFFFFFFF0]  }
0x55: {  	v5 =	vld [tilespmem:s31+$0xFFFFFFC0]  }
0x56: {  	v10 =	vld [tilespmem:s31+$0xFFFFFFD0]  }
0x57: {  	v0 =	vadd.f32 v0, v9;
	v11 =	vld [tilespmem:s31+$0xFFFFFFE0]  }
0x58: {  	v1 =	vadd.f32 v1, v4;
	v9 =	vld [tilespmem:s31+$0xFFFFFFF0]  }
0x59: {  	v3 =	vadd.f32 v3, v6;
	v12 =	vld [tilespmem:s1+$0xFFFFFFC0];
	[tilespmem:s0+$0x0] =	vst v0  }
0x5a: {  	v0 =	vld.idx.msk [tilespmem:v7+s5+$0x0], $0xffff;
	[tilespmem:s0+$0x10] =	vst v1  }
0x5b: {  	v1 =	vld.idx.msk [tilespmem:v8+s5+$0x0], $0xffff;
	[tilespmem:s0+$0x20] =	vst v3  }
0x5c: {  	v3 =	vld.idx.msk [tilespmem:v2+s5+$0x0], $0xffff  }
.Ltmp0:
0x5d: {  	v2 =	vld.idx.msk [tilespmem:v5+s5+$0x0], $0xffff;
	(pc) =	sbr.rel @p0 .LBB2_3-.Ltmp0, $4  }
0x5e: {  	v4 =	vld.idx.msk [tilespmem:v10+s5+$0x0], $0xffff  }
0x5f: {  	v6 =	vld.idx.msk [tilespmem:v11+s5+$0x0], $0xffff  }
0x60: {  	v7 =	vld.idx.msk [tilespmem:v9+s5+$0x0], $0xffff  }
0x61: {  	s1 =	sadd.s32 $0x80, s1;
	v5 =	vld.idx.msk [tilespmem:v12+s5+$0x0], $0xffff  }
0x62: {  	_ = 	snop  }
0x63: {  	v0 =	vadd.f32 v4, v0  }
0x64: {  	v1 =	vadd.f32 v6, v1  }
0x65: {  	v3 =	vadd.f32 v7, v3;
	[tilespmem:s0+$0xFFFFFFD0] =	vst v0  }
0x66: {  	v0 =	vadd.f32 v2, v5;
	[tilespmem:s0+$0xFFFFFFE0] =	vst v1  }
0x67: {  	[tilespmem:s0+$0xFFFFFFF0] =	vst v3  }
0x68: {  	[tilespmem:s0+$0xFFFFFFC0] =	vst v0  }
0x69: {  	_ =	swait.ge [sflag:s22], $0x1000  }
0x6a: {  	[sflag:s22] =	ssyncset.done $0x0  }
0x6b: {  	[sflag:s22] =	ssyncadd.s32 $0xFFFFF000  }
0x6c: {  	_ =	swait.ge [sflag:s22], $0x1000  }
0x6d: {  	[sflag:s22] =	ssyncset.done $0x0  }
0x6e: {  	s1 =	sadd.s32 s30, s10;
	[sflag:s22] =	ssyncadd.s32 $0xFFFFF000  }
0x6f: {  	[tilespmem:s18], [sflag:$0x1] =	stream.strided.gather [hbm4b:s1+s15], $0x1000, s16, s15, $0x38;
	[tilespmem:$0x1D700] =	vst v63  }
0x70: {  	s2 =	sadd.s32 s30, s11;
	s31 =	simm.s32 $0x0  }
0x71: {  	[tilespmem:s19], [sflag:$0x1] =	stream.strided.gather [hbm4b:s2+s15], $0x1000, s16, s15, $0x38;
	[tilespmem:$0x1D700] =	vst v63  }
0x72: {  	v0 =	vld [tilespmem:s31+$0x1A770]  }
0x73: {  	v1 =	vld [tilespmem:s31+$0x1B770]  }
0x74: {  	v2 =	vld [tilespmem:s31+$0x1A740]  }
0x75: {  	v3 =	vld [tilespmem:s31+$0x1A750]  }
0x76: {  	v57 =	vld [tilespmem:s31+$0x1A760]  }
0x77: {  	v58 =	vld [tilespmem:s31+$0x1B740]  }
0x78: {  	v59 =	vld [tilespmem:s31+$0x1B750]  }
0x79: {  	v60 =	vld [tilespmem:s31+$0x1B760]  }
0x7a: {  	v8 =	vld [tilespmem:s31+$0x1A700]  }
0x7b: {  	v61 =	vld [tilespmem:s31+$0x1A720]  }
0x7c: {  	v9 =	vld [tilespmem:s31+$0x1A730]  }
0x7d: {  	v10 =	vld [tilespmem:s31+$0x1B700]  }
0x7e: {  	v11 =	vld [tilespmem:s31+$0x1B710]  }
0x7f: {  	v0 =	vld.idx.msk [tilespmem:v0+s5+$0x0], $0xffff  }
0x80: {  	v1 =	vld.idx.msk [tilespmem:v1+s5+$0x0], $0xffff  }
0x81: {  	v2 =	vld.idx.msk [tilespmem:v2+s5+$0x0], $0xffff  }
0x82: {  	v3 =	vld.idx.msk [tilespmem:v3+s5+$0x0], $0xffff  }
0x83: {  	v4 =	vld.idx.msk [tilespmem:v57+s5+$0x0], $0xffff  }
0x84: {  	v5 =	vld.idx.msk [tilespmem:v58+s5+$0x0], $0xffff  }
0x85: {  	v6 =	vld.idx.msk [tilespmem:v59+s5+$0x0], $0xffff;
	v0 =	vadd.f32 v1, v0  }
0x86: {  	v1 =	vld.idx.msk [tilespmem:v60+s5+$0x0], $0xffff  }
0x87: {  	[tilespmem:s31+$0x1C770] =	vst.add.f32.msk $0xffff, v0  }
0x88: {  	v0 =	vld [tilespmem:s31+$0x1A710]  }
0x89: {  	v12 =	vld [tilespmem:s31+$0x1B720]  }
0x8a: {  	v13 =	vld [tilespmem:s31+$0x1B730]  }
0x8b: {  	v8 =	vld.idx.msk [tilespmem:v8+s5+$0x0], $0xffff  }
0x8c: {  	v7 =	vld.idx.msk [tilespmem:v61+s5+$0x0], $0xffff  }
0x8d: {  	v9 =	vld.idx.msk [tilespmem:v9+s5+$0x0], $0xffff  }
0x8e: {  	v10 =	vld.idx.msk [tilespmem:v10+s5+$0x0], $0xffff  }
0x8f: {  	v11 =	vld.idx.msk [tilespmem:v11+s5+$0x0], $0xffff  }
0x90: {  	v0 =	vld.idx.msk [tilespmem:v0+s5+$0x0], $0xffff  }
0x91: {  	v62 =	vld.idx.msk [tilespmem:v12+s5+$0x0], $0xffff;
	v2 =	vadd.f32 v5, v2  }
0x92: {  	v63 =	vld.idx.msk [tilespmem:v13+s5+$0x0], $0xffff;
	v3 =	vadd.f32 v6, v3  }
0x93: {  	[tilespmem:s31+$0x1C740] =	vst.add.f32.msk $0xffff, v2;
	v1 =	vadd.f32 v1, v4  }
0x94: {  	v2 =	vadd.f32 v10, v8;
	[tilespmem:s31+$0x1C750] =	vst.add.f32.msk $0xffff, v3  }
0x95: {  	[tilespmem:s31+$0x1C760] =	vst.add.f32.msk $0xffff, v1;
	v3 =	vadd.f32 v11, v0  }
0x96: {  	v1 =	vadd.f32 v62, v7;
	[tilespmem:s31+$0x1C700] =	vst.add.f32.msk $0xffff, v2  }
0x97: {  	s0 =	simm.s32 $0x0;
	s2 =	simm.s32 $0x200;
	v0 =	vadd.f32 v63, v9;
	[tilespmem:s31+$0x1C710] =	vst.add.f32.msk $0xffff, v3  }
.LBB2_5:
0x98: {  	s1 =	sshra.s32 s2, $0x2;
	[tilespmem:s31+$0x1C720] =	vst.add.f32.msk $0xffff, v1  }
0x99: {  	s0 =	sadd.s32 $0x2, s0;
	v1 =	vld [tilespmem:s1+$0x1A770]  }
0x9a: {  	p0 =	slt.u32 s0, $0x3E;
	v2 =	vld [tilespmem:s1+$0x1B770]  }
0x9b: {  	v3 =	vld [tilespmem:s1+$0x1A740]  }
0x9c: {  	v4 =	vld [tilespmem:s1+$0x1A750]  }
0x9d: {  	v5 =	vld [tilespmem:s1+$0x1A760]  }
0x9e: {  	v6 =	vld [tilespmem:s1+$0x1B740]  }
0x9f: {  	v7 =	vld [tilespmem:s1+$0x1B750]  }
0xa0: {  	v8 =	vld [tilespmem:s1+$0x1B760]  }
0xa1: {  	v1 =	vld.idx.msk [tilespmem:v1+s5+$0x0], $0xffff  }
0xa2: {  	v2 =	vld.idx.msk [tilespmem:v2+s5+$0x0], $0xffff  }
0xa3: {  	v9 =	vld [tilespmem:s1+$0x1A700]  }
0xa4: {  	v3 =	vld.idx.msk [tilespmem:v3+s5+$0x0], $0xffff  }
0xa5: {  	v4 =	vld.idx.msk [tilespmem:v4+s5+$0x0], $0xffff  }
0xa6: {  	v5 =	vld.idx.msk [tilespmem:v5+s5+$0x0], $0xffff  }
0xa7: {  	v6 =	vld.idx.msk [tilespmem:v6+s5+$0x0], $0xffff  }
0xa8: {  	v1 =	vadd.f32 v2, v1;
	v7 =	vld.idx.msk [tilespmem:v7+s5+$0x0], $0xffff  }
0xa9: {  	v2 =	vld.idx.msk [tilespmem:v8+s5+$0x0], $0xffff  }
0xaa: {  	[tilespmem:s1+$0x1C770] =	vst.add.f32.msk $0xffff, v1  }
0xab: {  	v1 =	vld [tilespmem:s1+$0x1A710]  }
0xac: {  	v8 =	vld [tilespmem:s1+$0x1A720]  }
0xad: {  	v3 =	vadd.f32 v6, v3;
	v10 =	vld [tilespmem:s1+$0x1A730]  }
0xae: {  	v4 =	vadd.f32 v7, v4;
	v6 =	vld [tilespmem:s1+$0x1B700]  }
0xaf: {  	v2 =	vadd.f32 v2, v5;
	v7 =	vld [tilespmem:s1+$0x1B710]  }
0xb0: {  	v5 =	vld [tilespmem:s1+$0x1B720]  }
0xb1: {  	v11 =	vld [tilespmem:s1+$0x1B730]  }
0xb2: {  	v9 =	vld.idx.msk [tilespmem:v9+s5+$0x0], $0xffff  }
0xb3: {  	v1 =	vld.idx.msk [tilespmem:v1+s5+$0x0], $0xffff  }
0xb4: {  	v8 =	vld.idx.msk [tilespmem:v8+s5+$0x0], $0xffff  }
0xb5: {  	v10 =	vld.idx.msk [tilespmem:v10+s5+$0x0], $0xffff  }
0xb6: {  	v6 =	vld.idx.msk [tilespmem:v6+s5+$0x0], $0xffff  }
0xb7: {  	v7 =	vld.idx.msk [tilespmem:v7+s5+$0x0], $0xffff  }
0xb8: {  	v5 =	vld.idx.msk [tilespmem:v5+s5+$0x0], $0xffff  }
0xb9: {  	v11 =	vld.idx.msk [tilespmem:v11+s5+$0x0], $0xffff  }
0xba: {  	[tilespmem:s31+$0x1C730] =	vst.add.f32.msk $0xffff, v0;
	s31 =	smov.u32 s1  }
.Ltmp1:
0xbb: {  	[tilespmem:s31+$0x1C740] =	vst.add.f32.msk $0xffff, v3;
	(pc) =	sbr.rel @p0 .LBB2_5-.Ltmp1, $4  }
0xbc: {  	v0 =	vadd.f32 v6, v9;
	[tilespmem:s31+$0x1C750] =	vst.add.f32.msk $0xffff, v4  }
0xbd: {  	v3 =	vadd.f32 v7, v1;
	[tilespmem:s31+$0x1C760] =	vst.add.f32.msk $0xffff, v2  }
0xbe: {  	v1 =	vadd.f32 v5, v8;
	[tilespmem:s31+$0x1C700] =	vst.add.f32.msk $0xffff, v0  }
0xbf: {  	s2 =	sadd.s32 $0x200, s2;
	v0 =	vadd.f32 v11, v10;
	[tilespmem:s31+$0x1C710] =	vst.add.f32.msk $0xffff, v3  }
0xc0: {  	[tilespmem:s31+$0x1C720] =	vst.add.f32.msk $0xffff, v1  }
0xc1: {  	[tilespmem:s31+$0x1C730] =	vst.add.f32.msk $0xffff, v0  }
0xc2: {  	_ =	swait.ge [sflag:s22], $0x1000  }
0xc3: {  	[sflag:s22] =	ssyncset.done $0x0  }
0xc4: {  	[sflag:s22] =	ssyncadd.s32 $0xFFFFF000  }
0xc5: {  	_ =	swait.ge [sflag:s22], $0x1000  }
0xc6: {  	[sflag:s22] =	ssyncset.done $0x0  }
0xc7: {  	s0 =	sadd.s32 s30, s12;
	[sflag:s22] =	ssyncadd.s32 $0xFFFFF000  }
0xc8: {  	[tilespmem:s20], [sflag:$0x1] =	stream.strided.gather [hbm4b:s0+s15], $0x1000, s16, s15, $0x38;
	[tilespmem:$0x1D700] =	vst v63  }
0xc9: {  	s31 =	sadd.s32 s30, s13;
	s30 =	simm.s32 $0x0  }
0xca: {  	[tilespmem:s21], [sflag:$0x1] =	stream.strided.gather [hbm4b:s31+s15], $0x1000, s16, s15, $0x38;
	[tilespmem:$0x1D700] =	vst v63  }
0xcb: {  	v0 =	vld [tilespmem:s30+$0x18770]  }
0xcc: {  	v1 =	vld [tilespmem:s30+$0x19770]  }
0xcd: {  	v2 =	vld [tilespmem:s30+$0x18740]  }
0xce: {  	v3 =	vld [tilespmem:s30+$0x18750]  }
0xcf: {  	v4 =	vld [tilespmem:s30+$0x18760]  }
0xd0: {  	v5 =	vld [tilespmem:s30+$0x19740]  }
0xd1: {  	v6 =	vld [tilespmem:s30+$0x19750]  }
0xd2: {  	v7 =	vld [tilespmem:s30+$0x19760]  }
0xd3: {  	v8 =	vld [tilespmem:s30+$0x18700]  }
0xd4: {  	v9 =	vld [tilespmem:s30+$0x18730]  }
0xd5: {  	v10 =	vld [tilespmem:s30+$0x19700]  }
0xd6: {  	v11 =	vld [tilespmem:s30+$0x19710]  }
0xd7: {  	v12 =	vld [tilespmem:s30+$0x19720]  }
0xd8: {  	v0 =	vld.idx.msk [tilespmem:v0+s5+$0x0], $0xffff  }
0xd9: {  	v1 =	vld.idx.msk [tilespmem:v1+s5+$0x0], $0xffff  }
0xda: {  	v2 =	vld.idx.msk [tilespmem:v2+s5+$0x0], $0xffff  }
0xdb: {  	v3 =	vld.idx.msk [tilespmem:v3+s5+$0x0], $0xffff  }
0xdc: {  	v4 =	vld.idx.msk [tilespmem:v4+s5+$0x0], $0xffff  }
0xdd: {  	v5 =	vld.idx.msk [tilespmem:v5+s5+$0x0], $0xffff  }
0xde: {  	v6 =	vld.idx.msk [tilespmem:v6+s5+$0x0], $0xffff;
	v0 =	vadd.f32 v1, v0  }
0xdf: {  	v1 =	vld.idx.msk [tilespmem:v7+s5+$0x0], $0xffff  }
0xe0: {  	[tilespmem:s30+$0x1C770] =	vst.add.f32.msk $0xffff, v0  }
0xe1: {  	v0 =	vld [tilespmem:s30+$0x18710]  }
0xe2: {  	v61 =	vld [tilespmem:s30+$0x18720]  }
0xe3: {  	v13 =	vld [tilespmem:s30+$0x19730]  }
0xe4: {  	v8 =	vld.idx.msk [tilespmem:v8+s5+$0x0], $0xffff  }
0xe5: {  	v9 =	vld.idx.msk [tilespmem:v9+s5+$0x0], $0xffff  }
0xe6: {  	v10 =	vld.idx.msk [tilespmem:v10+s5+$0x0], $0xffff  }
0xe7: {  	v11 =	vld.idx.msk [tilespmem:v11+s5+$0x0], $0xffff  }
0xe8: {  	v62 =	vld.idx.msk [tilespmem:v12+s5+$0x0], $0xffff  }
0xe9: {  	v0 =	vld.idx.msk [tilespmem:v0+s5+$0x0], $0xffff  }
0xea: {  	v7 =	vld.idx.msk [tilespmem:v61+s5+$0x0], $0xffff;
	v2 =	vadd.f32 v5, v2  }
0xeb: {  	v63 =	vld.idx.msk [tilespmem:v13+s5+$0x0], $0xffff;
	v3 =	vadd.f32 v6, v3  }
0xec: {  	[tilespmem:s30+$0x1C740] =	vst.add.f32.msk $0xffff, v2;
	v1 =	vadd.f32 v1, v4  }
0xed: {  	v2 =	vadd.f32 v10, v8;
	[tilespmem:s30+$0x1C750] =	vst.add.f32.msk $0xffff, v3  }
0xee: {  	[tilespmem:s30+$0x1C760] =	vst.add.f32.msk $0xffff, v1;
	v3 =	vadd.f32 v11, v0  }
0xef: {  	v1 =	vadd.f32 v62, v7;
	[tilespmem:s30+$0x1C700] =	vst.add.f32.msk $0xffff, v2  }
0xf0: {  	s2 =	simm.s32 $0x200;
	s0 =	simm.s32 $0x0;
	v0 =	vadd.f32 v63, v9;
	[tilespmem:s30+$0x1C710] =	vst.add.f32.msk $0xffff, v3  }
.LBB2_7:
0xf1: {  	s1 =	sshra.s32 s2, $0x2;
	[tilespmem:s30+$0x1C720] =	vst.add.f32.msk $0xffff, v1  }
0xf2: {  	s0 =	sadd.s32 $0x2, s0;
	v1 =	vld [tilespmem:s1+$0x18770]  }
0xf3: {  	p0 =	slt.u32 s0, $0x3E;
	v2 =	vld [tilespmem:s1+$0x19770]  }
0xf4: {  	v3 =	vld [tilespmem:s1+$0x18740]  }
0xf5: {  	v4 =	vld [tilespmem:s1+$0x18750]  }
0xf6: {  	v5 =	vld [tilespmem:s1+$0x18760]  }
0xf7: {  	v6 =	vld [tilespmem:s1+$0x19740]  }
0xf8: {  	v7 =	vld [tilespmem:s1+$0x19750]  }
0xf9: {  	v8 =	vld [tilespmem:s1+$0x19760]  }
0xfa: {  	v1 =	vld.idx.msk [tilespmem:v1+s5+$0x0], $0xffff  }
0xfb: {  	v2 =	vld.idx.msk [tilespmem:v2+s5+$0x0], $0xffff  }
0xfc: {  	v9 =	vld [tilespmem:s1+$0x18700]  }
0xfd: {  	v3 =	vld.idx.msk [tilespmem:v3+s5+$0x0], $0xffff  }
0xfe: {  	v4 =	vld.idx.msk [tilespmem:v4+s5+$0x0], $0xffff  }
0xff: {  	v5 =	vld.idx.msk [tilespmem:v5+s5+$0x0], $0xffff  }
0x100: {  	v6 =	vld.idx.msk [tilespmem:v6+s5+$0x0], $0xffff  }
0x101: {  	v1 =	vadd.f32 v2, v1;
	v7 =	vld.idx.msk [tilespmem:v7+s5+$0x0], $0xffff  }
0x102: {  	v2 =	vld.idx.msk [tilespmem:v8+s5+$0x0], $0xffff  }
0x103: {  	[tilespmem:s1+$0x1C770] =	vst.add.f32.msk $0xffff, v1  }
0x104: {  	v1 =	vld [tilespmem:s1+$0x18710]  }
0x105: {  	v8 =	vld [tilespmem:s1+$0x18720]  }
0x106: {  	v3 =	vadd.f32 v6, v3;
	v10 =	vld [tilespmem:s1+$0x18730]  }
0x107: {  	v4 =	vadd.f32 v7, v4;
	v6 =	vld [tilespmem:s1+$0x19700]  }
0x108: {  	v2 =	vadd.f32 v2, v5;
	v7 =	vld [tilespmem:s1+$0x19710]  }
0x109: {  	v5 =	vld [tilespmem:s1+$0x19720]  }
0x10a: {  	v11 =	vld [tilespmem:s1+$0x19730]  }
0x10b: {  	v9 =	vld.idx.msk [tilespmem:v9+s5+$0x0], $0xffff  }
0x10c: {  	v1 =	vld.idx.msk [tilespmem:v1+s5+$0x0], $0xffff  }
0x10d: {  	v8 =	vld.idx.msk [tilespmem:v8+s5+$0x0], $0xffff  }
0x10e: {  	v10 =	vld.idx.msk [tilespmem:v10+s5+$0x0], $0xffff  }
0x10f: {  	v6 =	vld.idx.msk [tilespmem:v6+s5+$0x0], $0xffff  }
0x110: {  	v7 =	vld.idx.msk [tilespmem:v7+s5+$0x0], $0xffff  }
0x111: {  	v5 =	vld.idx.msk [tilespmem:v5+s5+$0x0], $0xffff  }
0x112: {  	v11 =	vld.idx.msk [tilespmem:v11+s5+$0x0], $0xffff  }
0x113: {  	[tilespmem:s30+$0x1C730] =	vst.add.f32.msk $0xffff, v0;
	s30 =	smov.u32 s1  }
.Ltmp2:
0x114: {  	[tilespmem:s30+$0x1C740] =	vst.add.f32.msk $0xffff, v3;
	(pc) =	sbr.rel @p0 .LBB2_7-.Ltmp2, $4  }
0x115: {  	v0 =	vadd.f32 v6, v9;
	[tilespmem:s30+$0x1C750] =	vst.add.f32.msk $0xffff, v4  }
0x116: {  	v3 =	vadd.f32 v7, v1;
	[tilespmem:s30+$0x1C760] =	vst.add.f32.msk $0xffff, v2  }
0x117: {  	v1 =	vadd.f32 v5, v8;
	[tilespmem:s30+$0x1C700] =	vst.add.f32.msk $0xffff, v0  }
0x118: {  	s2 =	sadd.s32 $0x200, s2;
	v0 =	vadd.f32 v11, v10;
	[tilespmem:s30+$0x1C710] =	vst.add.f32.msk $0xffff, v3  }
0x119: {  	[tilespmem:s30+$0x1C720] =	vst.add.f32.msk $0xffff, v1  }
0x11a: {  	[tilespmem:s30+$0x1C730] =	vst.add.f32.msk $0xffff, v0  }
0x11b: {  	_ =	swait.ge [sflag:s22], $0x1000  }
0x11c: {  	[sflag:s22] =	ssyncset.done $0x0  }
0x11d: {  	[sflag:s22] =	ssyncadd.s32 $0xFFFFF000  }
0x11e: {  	_ =	swait.ge [sflag:s22], $0x1000  }
0x11f: {  	[sflag:s22] =	ssyncset.done $0x0  }
0x120: {  	s0 =	sadd.s32 $0x1000, s29;
	[sflag:s22] =	ssyncadd.s32 $0xFFFFF000  }
0x121: {  	[tilespmem:s18], [sflag:$0x1] =	stream.strided.gather [hbm4b:s0+s15], $0x1000, s16, s15, $0x38;
	[tilespmem:$0x1D700] =	vst v63  }
0x122: {  	s31 =	sadd.s32 $0x1010, s29;
	s30 =	simm.s32 $0x0  }
0x123: {  	[tilespmem:s19], [sflag:$0x1] =	stream.strided.gather [hbm4b:s31+s15], $0x1000, s16, s15, $0x38;
	[tilespmem:$0x1D700] =	vst v63  }
0x124: {  	v0 =	vld [tilespmem:s30+$0x1A770]  }
0x125: {  	v1 =	vld [tilespmem:s30+$0x1B770]  }
0x126: {  	v2 =	vld [tilespmem:s30+$0x1A740]  }
0x127: {  	v3 =	vld [tilespmem:s30+$0x1A750]  }
0x128: {  	v4 =	vld [tilespmem:s30+$0x1A760]  }
0x129: {  	v5 =	vld [tilespmem:s30+$0x1B740]  }
0x12a: {  	v6 =	vld [tilespmem:s30+$0x1B750]  }
0x12b: {  	v7 =	vld [tilespmem:s30+$0x1B760]  }
0x12c: {  	v8 =	vld [tilespmem:s30+$0x1A700]  }
0x12d: {  	v9 =	vld [tilespmem:s30+$0x1A730]  }
0x12e: {  	v10 =	vld [tilespmem:s30+$0x1B700]  }
0x12f: {  	v11 =	vld [tilespmem:s30+$0x1B710]  }
0x130: {  	v12 =	vld [tilespmem:s30+$0x1B720]  }
0x131: {  	v0 =	vld.idx.msk [tilespmem:v0+s5+$0x0], $0xffff  }
0x132: {  	v1 =	vld.idx.msk [tilespmem:v1+s5+$0x0], $0xffff  }
0x133: {  	v2 =	vld.idx.msk [tilespmem:v2+s5+$0x0], $0xffff  }
0x134: {  	v3 =	vld.idx.msk [tilespmem:v3+s5+$0x0], $0xffff  }
0x135: {  	v4 =	vld.idx.msk [tilespmem:v4+s5+$0x0], $0xffff  }
0x136: {  	v5 =	vld.idx.msk [tilespmem:v5+s5+$0x0], $0xffff  }
0x137: {  	v6 =	vld.idx.msk [tilespmem:v6+s5+$0x0], $0xffff;
	v0 =	vadd.f32 v1, v0  }
0x138: {  	v1 =	vld.idx.msk [tilespmem:v7+s5+$0x0], $0xffff  }
0x139: {  	[tilespmem:s30+$0x1C770] =	vst.add.f32.msk $0xffff, v0  }
0x13a: {  	v0 =	vld [tilespmem:s30+$0x1A710]  }
0x13b: {  	v61 =	vld [tilespmem:s30+$0x1A720]  }
0x13c: {  	v13 =	vld [tilespmem:s30+$0x1B730]  }
0x13d: {  	v8 =	vld.idx.msk [tilespmem:v8+s5+$0x0], $0xffff  }
0x13e: {  	v9 =	vld.idx.msk [tilespmem:v9+s5+$0x0], $0xffff  }
0x13f: {  	v10 =	vld.idx.msk [tilespmem:v10+s5+$0x0], $0xffff  }
0x140: {  	v11 =	vld.idx.msk [tilespmem:v11+s5+$0x0], $0xffff  }
0x141: {  	v62 =	vld.idx.msk [tilespmem:v12+s5+$0x0], $0xffff  }
0x142: {  	v0 =	vld.idx.msk [tilespmem:v0+s5+$0x0], $0xffff  }
0x143: {  	v7 =	vld.idx.msk [tilespmem:v61+s5+$0x0], $0xffff;
	v2 =	vadd.f32 v5, v2  }
0x144: {  	v63 =	vld.idx.msk [tilespmem:v13+s5+$0x0], $0xffff;
	v3 =	vadd.f32 v6, v3  }
0x145: {  	[tilespmem:s30+$0x1C740] =	vst.add.f32.msk $0xffff, v2;
	v1 =	vadd.f32 v1, v4  }
0x146: {  	v2 =	vadd.f32 v10, v8;
	[tilespmem:s30+$0x1C750] =	vst.add.f32.msk $0xffff, v3  }
0x147: {  	[tilespmem:s30+$0x1C760] =	vst.add.f32.msk $0xffff, v1;
	v3 =	vadd.f32 v11, v0  }
0x148: {  	v1 =	vadd.f32 v62, v7;
	[tilespmem:s30+$0x1C700] =	vst.add.f32.msk $0xffff, v2  }
0x149: {  	s2 =	simm.s32 $0x200;
	s0 =	simm.s32 $0x0;
	v0 =	vadd.f32 v63, v9;
	[tilespmem:s30+$0x1C710] =	vst.add.f32.msk $0xffff, v3  }
.LBB2_9:
0x14a: {  	s1 =	sshra.s32 s2, $0x2;
	[tilespmem:s30+$0x1C720] =	vst.add.f32.msk $0xffff, v1  }
0x14b: {  	s0 =	sadd.s32 $0x2, s0;
	v1 =	vld [tilespmem:s1+$0x1A770]  }
0x14c: {  	p0 =	slt.u32 s0, $0x3E;
	v2 =	vld [tilespmem:s1+$0x1B770]  }
0x14d: {  	v3 =	vld [tilespmem:s1+$0x1A740]  }
0x14e: {  	v4 =	vld [tilespmem:s1+$0x1A750]  }
0x14f: {  	v5 =	vld [tilespmem:s1+$0x1A760]  }
0x150: {  	v6 =	vld [tilespmem:s1+$0x1B740]  }
0x151: {  	v7 =	vld [tilespmem:s1+$0x1B750]  }
0x152: {  	v8 =	vld [tilespmem:s1+$0x1B760]  }
0x153: {  	v1 =	vld.idx.msk [tilespmem:v1+s5+$0x0], $0xffff  }
0x154: {  	v2 =	vld.idx.msk [tilespmem:v2+s5+$0x0], $0xffff  }
0x155: {  	v9 =	vld [tilespmem:s1+$0x1A700]  }
0x156: {  	v3 =	vld.idx.msk [tilespmem:v3+s5+$0x0], $0xffff  }
0x157: {  	v4 =	vld.idx.msk [tilespmem:v4+s5+$0x0], $0xffff  }
0x158: {  	v5 =	vld.idx.msk [tilespmem:v5+s5+$0x0], $0xffff  }
0x159: {  	v6 =	vld.idx.msk [tilespmem:v6+s5+$0x0], $0xffff  }
0x15a: {  	v1 =	vadd.f32 v2, v1;
	v7 =	vld.idx.msk [tilespmem:v7+s5+$0x0], $0xffff  }
0x15b: {  	v2 =	vld.idx.msk [tilespmem:v8+s5+$0x0], $0xffff  }
0x15c: {  	[tilespmem:s1+$0x1C770] =	vst.add.f32.msk $0xffff, v1  }
0x15d: {  	v1 =	vld [tilespmem:s1+$0x1A710]  }
0x15e: {  	v8 =	vld [tilespmem:s1+$0x1A720]  }
0x15f: {  	v3 =	vadd.f32 v6, v3;
	v10 =	vld [tilespmem:s1+$0x1A730]  }
0x160: {  	v4 =	vadd.f32 v7, v4;
	v6 =	vld [tilespmem:s1+$0x1B700]  }
0x161: {  	v2 =	vadd.f32 v2, v5;
	v7 =	vld [tilespmem:s1+$0x1B710]  }
0x162: {  	v5 =	vld [tilespmem:s1+$0x1B720]  }
0x163: {  	v11 =	vld [tilespmem:s1+$0x1B730]  }
0x164: {  	v9 =	vld.idx.msk [tilespmem:v9+s5+$0x0], $0xffff  }
0x165: {  	v1 =	vld.idx.msk [tilespmem:v1+s5+$0x0], $0xffff  }
0x166: {  	v8 =	vld.idx.msk [tilespmem:v8+s5+$0x0], $0xffff  }
0x167: {  	v10 =	vld.idx.msk [tilespmem:v10+s5+$0x0], $0xffff  }
0x168: {  	v6 =	vld.idx.msk [tilespmem:v6+s5+$0x0], $0xffff  }
0x169: {  	v7 =	vld.idx.msk [tilespmem:v7+s5+$0x0], $0xffff  }
0x16a: {  	v5 =	vld.idx.msk [tilespmem:v5+s5+$0x0], $0xffff  }
0x16b: {  	v11 =	vld.idx.msk [tilespmem:v11+s5+$0x0], $0xffff  }
0x16c: {  	[tilespmem:s30+$0x1C730] =	vst.add.f32.msk $0xffff, v0;
	s30 =	smov.u32 s1  }
.Ltmp3:
0x16d: {  	[tilespmem:s30+$0x1C740] =	vst.add.f32.msk $0xffff, v3;
	(pc) =	sbr.rel @p0 .LBB2_9-.Ltmp3, $4  }
0x16e: {  	v0 =	vadd.f32 v6, v9;
	[tilespmem:s30+$0x1C750] =	vst.add.f32.msk $0xffff, v4  }
0x16f: {  	v3 =	vadd.f32 v7, v1;
	[tilespmem:s30+$0x1C760] =	vst.add.f32.msk $0xffff, v2  }
0x170: {  	v1 =	vadd.f32 v5, v8;
	[tilespmem:s30+$0x1C700] =	vst.add.f32.msk $0xffff, v0  }
0x171: {  	s2 =	sadd.s32 $0x200, s2;
	v0 =	vadd.f32 v11, v10;
	[tilespmem:s30+$0x1C710] =	vst.add.f32.msk $0xffff, v3  }
0x172: {  	[tilespmem:s30+$0x1C720] =	vst.add.f32.msk $0xffff, v1  }
0x173: {  	[tilespmem:s30+$0x1C730] =	vst.add.f32.msk $0xffff, v0  }
0x174: {  	_ =	swait.ge [sflag:s22], $0x1000  }
0x175: {  	[sflag:s22] =	ssyncset.done $0x0  }
0x176: {  	[sflag:s22] =	ssyncadd.s32 $0xFFFFF000  }
0x177: {  	_ =	swait.ge [sflag:s22], $0x1000  }
0x178: {  	[sflag:s22] =	ssyncset.done $0x0  }
0x179: {  	s0 =	sadd.s32 $0x1020, s29;
	[sflag:s22] =	ssyncadd.s32 $0xFFFFF000  }
0x17a: {  	[tilespmem:s20], [sflag:$0x1] =	stream.strided.gather [hbm4b:s0+s15], $0x1000, s16, s15, $0x38;
	[tilespmem:$0x1D700] =	vst v63  }
0x17b: {  	s31 =	sadd.s32 $0x1030, s29;
	s30 =	simm.s32 $0x0  }
0x17c: {  	[tilespmem:s21], [sflag:$0x1] =	stream.strided.gather [hbm4b:s31+s15], $0x1000, s16, s15, $0x38;
	[tilespmem:$0x1D700] =	vst v63  }
0x17d: {  	v0 =	vld [tilespmem:s30+$0x18770]  }
0x17e: {  	v1 =	vld [tilespmem:s30+$0x19770]  }
0x17f: {  	v2 =	vld [tilespmem:s30+$0x18740]  }
0x180: {  	v3 =	vld [tilespmem:s30+$0x18750]  }
0x181: {  	v4 =	vld [tilespmem:s30+$0x18760]  }
0x182: {  	v5 =	vld [tilespmem:s30+$0x19740]  }
0x183: {  	v6 =	vld [tilespmem:s30+$0x19750]  }
0x184: {  	v7 =	vld [tilespmem:s30+$0x19760]  }
0x185: {  	v8 =	vld [tilespmem:s30+$0x18700]  }
0x186: {  	v9 =	vld [tilespmem:s30+$0x18730]  }
0x187: {  	v10 =	vld [tilespmem:s30+$0x19700]  }
0x188: {  	v11 =	vld [tilespmem:s30+$0x19710]  }
0x189: {  	v12 =	vld [tilespmem:s30+$0x19720]  }
0x18a: {  	v0 =	vld.idx.msk [tilespmem:v0+s5+$0x0], $0xffff  }
0x18b: {  	v1 =	vld.idx.msk [tilespmem:v1+s5+$0x0], $0xffff  }
0x18c: {  	v2 =	vld.idx.msk [tilespmem:v2+s5+$0x0], $0xffff  }
0x18d: {  	v3 =	vld.idx.msk [tilespmem:v3+s5+$0x0], $0xffff  }
0x18e: {  	v4 =	vld.idx.msk [tilespmem:v4+s5+$0x0], $0xffff  }
0x18f: {  	v5 =	vld.idx.msk [tilespmem:v5+s5+$0x0], $0xffff  }
0x190: {  	v6 =	vld.idx.msk [tilespmem:v6+s5+$0x0], $0xffff;
	v0 =	vadd.f32 v1, v0  }
0x191: {  	v1 =	vld.idx.msk [tilespmem:v7+s5+$0x0], $0xffff  }
0x192: {  	[tilespmem:s30+$0x1C770] =	vst.add.f32.msk $0xffff, v0  }
0x193: {  	v0 =	vld [tilespmem:s30+$0x18710]  }
0x194: {  	v61 =	vld [tilespmem:s30+$0x18720]  }
0x195: {  	v13 =	vld [tilespmem:s30+$0x19730]  }
0x196: {  	v8 =	vld.idx.msk [tilespmem:v8+s5+$0x0], $0xffff  }
0x197: {  	v9 =	vld.idx.msk [tilespmem:v9+s5+$0x0], $0xffff  }
0x198: {  	v10 =	vld.idx.msk [tilespmem:v10+s5+$0x0], $0xffff  }
0x199: {  	v11 =	vld.idx.msk [tilespmem:v11+s5+$0x0], $0xffff  }
0x19a: {  	v62 =	vld.idx.msk [tilespmem:v12+s5+$0x0], $0xffff  }
0x19b: {  	v0 =	vld.idx.msk [tilespmem:v0+s5+$0x0], $0xffff  }
0x19c: {  	v7 =	vld.idx.msk [tilespmem:v61+s5+$0x0], $0xffff;
	v2 =	vadd.f32 v5, v2  }
0x19d: {  	v63 =	vld.idx.msk [tilespmem:v13+s5+$0x0], $0xffff;
	v3 =	vadd.f32 v6, v3  }
0x19e: {  	[tilespmem:s30+$0x1C740] =	vst.add.f32.msk $0xffff, v2;
	v1 =	vadd.f32 v1, v4  }
0x19f: {  	v2 =	vadd.f32 v10, v8;
	[tilespmem:s30+$0x1C750] =	vst.add.f32.msk $0xffff, v3  }
0x1a0: {  	[tilespmem:s30+$0x1C760] =	vst.add.f32.msk $0xffff, v1;
	v3 =	vadd.f32 v11, v0  }
0x1a1: {  	v1 =	vadd.f32 v62, v7;
	[tilespmem:s30+$0x1C700] =	vst.add.f32.msk $0xffff, v2  }
0x1a2: {  	s2 =	simm.s32 $0x200;
	s0 =	simm.s32 $0x0;
	v0 =	vadd.f32 v63, v9;
	[tilespmem:s30+$0x1C710] =	vst.add.f32.msk $0xffff, v3  }
.LBB2_11:
0x1a3: {  	s1 =	sshra.s32 s2, $0x2;
	[tilespmem:s30+$0x1C720] =	vst.add.f32.msk $0xffff, v1  }
0x1a4: {  	s0 =	sadd.s32 $0x2, s0;
	v1 =	vld [tilespmem:s1+$0x18770]  }
0x1a5: {  	p0 =	slt.u32 s0, $0x3E;
	v2 =	vld [tilespmem:s1+$0x19770]  }
0x1a6: {  	v3 =	vld [tilespmem:s1+$0x18740]  }
0x1a7: {  	v4 =	vld [tilespmem:s1+$0x18750]  }
0x1a8: {  	v5 =	vld [tilespmem:s1+$0x18760]  }
0x1a9: {  	v6 =	vld [tilespmem:s1+$0x19740]  }
0x1aa: {  	v7 =	vld [tilespmem:s1+$0x19750]  }
0x1ab: {  	v8 =	vld [tilespmem:s1+$0x19760]  }
0x1ac: {  	v1 =	vld.idx.msk [tilespmem:v1+s5+$0x0], $0xffff  }
0x1ad: {  	v2 =	vld.idx.msk [tilespmem:v2+s5+$0x0], $0xffff  }
0x1ae: {  	v9 =	vld [tilespmem:s1+$0x18700]  }
0x1af: {  	v3 =	vld.idx.msk [tilespmem:v3+s5+$0x0], $0xffff  }
0x1b0: {  	v4 =	vld.idx.msk [tilespmem:v4+s5+$0x0], $0xffff  }
0x1b1: {  	v5 =	vld.idx.msk [tilespmem:v5+s5+$0x0], $0xffff  }
0x1b2: {  	v6 =	vld.idx.msk [tilespmem:v6+s5+$0x0], $0xffff  }
0x1b3: {  	v1 =	vadd.f32 v2, v1;
	v7 =	vld.idx.msk [tilespmem:v7+s5+$0x0], $0xffff  }
0x1b4: {  	v2 =	vld.idx.msk [tilespmem:v8+s5+$0x0], $0xffff  }
0x1b5: {  	[tilespmem:s1+$0x1C770] =	vst.add.f32.msk $0xffff, v1  }
0x1b6: {  	v1 =	vld [tilespmem:s1+$0x18710]  }
0x1b7: {  	v8 =	vld [tilespmem:s1+$0x18720]  }
0x1b8: {  	v3 =	vadd.f32 v6, v3;
	v10 =	vld [tilespmem:s1+$0x18730]  }
0x1b9: {  	v4 =	vadd.f32 v7, v4;
	v6 =	vld [tilespmem:s1+$0x19700]  }
0x1ba: {  	v2 =	vadd.f32 v2, v5;
	v7 =	vld [tilespmem:s1+$0x19710]  }
0x1bb: {  	v5 =	vld [tilespmem:s1+$0x19720]  }
0x1bc: {  	v11 =	vld [tilespmem:s1+$0x19730]  }
0x1bd: {  	v9 =	vld.idx.msk [tilespmem:v9+s5+$0x0], $0xffff  }
0x1be: {  	v1 =	vld.idx.msk [tilespmem:v1+s5+$0x0], $0xffff  }
0x1bf: {  	v8 =	vld.idx.msk [tilespmem:v8+s5+$0x0], $0xffff  }
0x1c0: {  	v10 =	vld.idx.msk [tilespmem:v10+s5+$0x0], $0xffff  }
0x1c1: {  	v6 =	vld.idx.msk [tilespmem:v6+s5+$0x0], $0xffff  }
0x1c2: {  	v7 =	vld.idx.msk [tilespmem:v7+s5+$0x0], $0xffff  }
0x1c3: {  	v5 =	vld.idx.msk [tilespmem:v5+s5+$0x0], $0xffff  }
0x1c4: {  	v11 =	vld.idx.msk [tilespmem:v11+s5+$0x0], $0xffff  }
0x1c5: {  	[tilespmem:s30+$0x1C730] =	vst.add.f32.msk $0xffff, v0;
	s30 =	smov.u32 s1  }
.Ltmp4:
0x1c6: {  	[tilespmem:s30+$0x1C740] =	vst.add.f32.msk $0xffff, v3;
	(pc) =	sbr.rel @p0 .LBB2_11-.Ltmp4, $4  }
0x1c7: {  	v0 =	vadd.f32 v6, v9;
	[tilespmem:s30+$0x1C750] =	vst.add.f32.msk $0xffff, v4  }
0x1c8: {  	v3 =	vadd.f32 v7, v1;
	[tilespmem:s30+$0x1C760] =	vst.add.f32.msk $0xffff, v2  }
0x1c9: {  	v1 =	vadd.f32 v5, v8;
	[tilespmem:s30+$0x1C700] =	vst.add.f32.msk $0xffff, v0  }
0x1ca: {  	s2 =	sadd.s32 $0x200, s2;
	v0 =	vadd.f32 v11, v10;
	[tilespmem:s30+$0x1C710] =	vst.add.f32.msk $0xffff, v3  }
0x1cb: {  	[tilespmem:s30+$0x1C720] =	vst.add.f32.msk $0xffff, v1  }
0x1cc: {  	[tilespmem:s30+$0x1C730] =	vst.add.f32.msk $0xffff, v0  }
0x1cd: {  	_ =	swait.ge [sflag:s22], $0x1000  }
0x1ce: {  	[sflag:s22] =	ssyncset.done $0x0  }
0x1cf: {  	[sflag:s22] =	ssyncadd.s32 $0xFFFFF000  }
0x1d0: {  	_ =	swait.ge [sflag:s22], $0x1000  }
0x1d1: {  	[sflag:s22] =	ssyncset.done $0x0  }
0x1d2: {  	s0 =	sadd.s32 $0x1040, s29;
	[sflag:s22] =	ssyncadd.s32 $0xFFFFF000  }
0x1d3: {  	[tilespmem:s18], [sflag:$0x1] =	stream.strided.gather [hbm4b:s0+s15], $0x1000, s16, s15, $0x38;
	[tilespmem:$0x1D700] =	vst v63  }
0x1d4: {  	s31 =	sadd.s32 $0x1050, s29;
	s30 =	simm.s32 $0x0  }
0x1d5: {  	[tilespmem:s19], [sflag:$0x1] =	stream.strided.gather [hbm4b:s31+s15], $0x1000, s16, s15, $0x38;
	[tilespmem:$0x1D700] =	vst v63  }
0x1d6: {  	v0 =	vld [tilespmem:s30+$0x1A770]  }
0x1d7: {  	v1 =	vld [tilespmem:s30+$0x1B770]  }
0x1d8: {  	v2 =	vld [tilespmem:s30+$0x1A740]  }
0x1d9: {  	v3 =	vld [tilespmem:s30+$0x1A750]  }
0x1da: {  	v4 =	vld [tilespmem:s30+$0x1A760]  }
0x1db: {  	v5 =	vld [tilespmem:s30+$0x1B740]  }
0x1dc: {  	v6 =	vld [tilespmem:s30+$0x1B750]  }
0x1dd: {  	v7 =	vld [tilespmem:s30+$0x1B760]  }
0x1de: {  	v8 =	vld [tilespmem:s30+$0x1A700]  }
0x1df: {  	v9 =	vld [tilespmem:s30+$0x1A730]  }
0x1e0: {  	v10 =	vld [tilespmem:s30+$0x1B700]  }
0x1e1: {  	v11 =	vld [tilespmem:s30+$0x1B710]  }
0x1e2: {  	v12 =	vld [tilespmem:s30+$0x1B720]  }
0x1e3: {  	v0 =	vld.idx.msk [tilespmem:v0+s5+$0x0], $0xffff  }
0x1e4: {  	v1 =	vld.idx.msk [tilespmem:v1+s5+$0x0], $0xffff  }
0x1e5: {  	v2 =	vld.idx.msk [tilespmem:v2+s5+$0x0], $0xffff  }
0x1e6: {  	v3 =	vld.idx.msk [tilespmem:v3+s5+$0x0], $0xffff  }
0x1e7: {  	v4 =	vld.idx.msk [tilespmem:v4+s5+$0x0], $0xffff  }
0x1e8: {  	v5 =	vld.idx.msk [tilespmem:v5+s5+$0x0], $0xffff  }
0x1e9: {  	v6 =	vld.idx.msk [tilespmem:v6+s5+$0x0], $0xffff;
	v0 =	vadd.f32 v1, v0  }
0x1ea: {  	v1 =	vld.idx.msk [tilespmem:v7+s5+$0x0], $0xffff  }
0x1eb: {  	[tilespmem:s30+$0x1C770] =	vst.add.f32.msk $0xffff, v0  }
0x1ec: {  	v0 =	vld [tilespmem:s30+$0x1A710]  }
0x1ed: {  	v61 =	vld [tilespmem:s30+$0x1A720]  }
0x1ee: {  	v13 =	vld [tilespmem:s30+$0x1B730]  }
0x1ef: {  	v8 =	vld.idx.msk [tilespmem:v8+s5+$0x0], $0xffff  }
0x1f0: {  	v9 =	vld.idx.msk [tilespmem:v9+s5+$0x0], $0xffff  }
0x1f1: {  	v10 =	vld.idx.msk [tilespmem:v10+s5+$0x0], $0xffff  }
0x1f2: {  	v11 =	vld.idx.msk [tilespmem:v11+s5+$0x0], $0xffff  }
0x1f3: {  	v62 =	vld.idx.msk [tilespmem:v12+s5+$0x0], $0xffff  }
0x1f4: {  	v0 =	vld.idx.msk [tilespmem:v0+s5+$0x0], $0xffff  }
0x1f5: {  	v7 =	vld.idx.msk [tilespmem:v61+s5+$0x0], $0xffff;
	v2 =	vadd.f32 v5, v2  }
0x1f6: {  	v63 =	vld.idx.msk [tilespmem:v13+s5+$0x0], $0xffff;
	v3 =	vadd.f32 v6, v3  }
0x1f7: {  	[tilespmem:s30+$0x1C740] =	vst.add.f32.msk $0xffff, v2;
	v1 =	vadd.f32 v1, v4  }
0x1f8: {  	v2 =	vadd.f32 v10, v8;
	[tilespmem:s30+$0x1C750] =	vst.add.f32.msk $0xffff, v3  }
0x1f9: {  	[tilespmem:s30+$0x1C760] =	vst.add.f32.msk $0xffff, v1;
	v3 =	vadd.f32 v11, v0  }
0x1fa: {  	v1 =	vadd.f32 v62, v7;
	[tilespmem:s30+$0x1C700] =	vst.add.f32.msk $0xffff, v2  }
0x1fb: {  	s2 =	simm.s32 $0x200;
	s0 =	simm.s32 $0x0;
	v0 =	vadd.f32 v63, v9;
	[tilespmem:s30+$0x1C710] =	vst.add.f32.msk $0xffff, v3  }
.LBB2_13:
0x1fc: {  	s1 =	sshra.s32 s2, $0x2;
	[tilespmem:s30+$0x1C720] =	vst.add.f32.msk $0xffff, v1  }
0x1fd: {  	s0 =	sadd.s32 $0x2, s0;
	v1 =	vld [tilespmem:s1+$0x1A770]  }
0x1fe: {  	p0 =	slt.u32 s0, $0x3E;
	v2 =	vld [tilespmem:s1+$0x1B770]  }
0x1ff: {  	v3 =	vld [tilespmem:s1+$0x1A740]  }
0x200: {  	v4 =	vld [tilespmem:s1+$0x1A750]  }
0x201: {  	v5 =	vld [tilespmem:s1+$0x1A760]  }
0x202: {  	v6 =	vld [tilespmem:s1+$0x1B740]  }
0x203: {  	v7 =	vld [tilespmem:s1+$0x1B750]  }
0x204: {  	v8 =	vld [tilespmem:s1+$0x1B760]  }
0x205: {  	v1 =	vld.idx.msk [tilespmem:v1+s5+$0x0], $0xffff  }
0x206: {  	v2 =	vld.idx.msk [tilespmem:v2+s5+$0x0], $0xffff  }
0x207: {  	v9 =	vld [tilespmem:s1+$0x1A700]  }
0x208: {  	v3 =	vld.idx.msk [tilespmem:v3+s5+$0x0], $0xffff  }
0x209: {  	v4 =	vld.idx.msk [tilespmem:v4+s5+$0x0], $0xffff  }
0x20a: {  	v5 =	vld.idx.msk [tilespmem:v5+s5+$0x0], $0xffff  }
0x20b: {  	v6 =	vld.idx.msk [tilespmem:v6+s5+$0x0], $0xffff  }
0x20c: {  	v1 =	vadd.f32 v2, v1;
	v7 =	vld.idx.msk [tilespmem:v7+s5+$0x0], $0xffff  }
0x20d: {  	v2 =	vld.idx.msk [tilespmem:v8+s5+$0x0], $0xffff  }
0x20e: {  	[tilespmem:s1+$0x1C770] =	vst.add.f32.msk $0xffff, v1  }
0x20f: {  	v1 =	vld [tilespmem:s1+$0x1A710]  }
0x210: {  	v8 =	vld [tilespmem:s1+$0x1A720]  }
0x211: {  	v3 =	vadd.f32 v6, v3;
	v10 =	vld [tilespmem:s1+$0x1A730]  }
0x212: {  	v4 =	vadd.f32 v7, v4;
	v6 =	vld [tilespmem:s1+$0x1B700]  }
0x213: {  	v2 =	vadd.f32 v2, v5;
	v7 =	vld [tilespmem:s1+$0x1B710]  }
0x214: {  	v5 =	vld [tilespmem:s1+$0x1B720]  }
0x215: {  	v11 =	vld [tilespmem:s1+$0x1B730]  }
0x216: {  	v9 =	vld.idx.msk [tilespmem:v9+s5+$0x0], $0xffff  }
0x217: {  	v1 =	vld.idx.msk [tilespmem:v1+s5+$0x0], $0xffff  }
0x218: {  	v8 =	vld.idx.msk [tilespmem:v8+s5+$0x0], $0xffff  }
0x219: {  	v10 =	vld.idx.msk [tilespmem:v10+s5+$0x0], $0xffff  }
0x21a: {  	v6 =	vld.idx.msk [tilespmem:v6+s5+$0x0], $0xffff  }
0x21b: {  	v7 =	vld.idx.msk [tilespmem:v7+s5+$0x0], $0xffff  }
0x21c: {  	v5 =	vld.idx.msk [tilespmem:v5+s5+$0x0], $0xffff  }
0x21d: {  	v11 =	vld.idx.msk [tilespmem:v11+s5+$0x0], $0xffff  }
0x21e: {  	[tilespmem:s30+$0x1C730] =	vst.add.f32.msk $0xffff, v0;
	s30 =	smov.u32 s1  }
.Ltmp5:
0x21f: {  	[tilespmem:s30+$0x1C740] =	vst.add.f32.msk $0xffff, v3;
	(pc) =	sbr.rel @p0 .LBB2_13-.Ltmp5, $4  }
0x220: {  	v0 =	vadd.f32 v6, v9;
	[tilespmem:s30+$0x1C750] =	vst.add.f32.msk $0xffff, v4  }
0x221: {  	v3 =	vadd.f32 v7, v1;
	[tilespmem:s30+$0x1C760] =	vst.add.f32.msk $0xffff, v2  }
0x222: {  	v1 =	vadd.f32 v5, v8;
	[tilespmem:s30+$0x1C700] =	vst.add.f32.msk $0xffff, v0  }
0x223: {  	s2 =	sadd.s32 $0x200, s2;
	v0 =	vadd.f32 v11, v10;
	[tilespmem:s30+$0x1C710] =	vst.add.f32.msk $0xffff, v3  }
0x224: {  	[tilespmem:s30+$0x1C720] =	vst.add.f32.msk $0xffff, v1  }
0x225: {  	[tilespmem:s30+$0x1C730] =	vst.add.f32.msk $0xffff, v0  }
0x226: {  	_ =	swait.ge [sflag:s22], $0x1000  }
0x227: {  	[sflag:s22] =	ssyncset.done $0x0  }
0x228: {  	[sflag:s22] =	ssyncadd.s32 $0xFFFFF000  }
0x229: {  	_ =	swait.ge [sflag:s22], $0x1000  }
0x22a: {  	[sflag:s22] =	ssyncset.done $0x0  }
0x22b: {  	s0 =	sadd.s32 $0x1060, s29;
	[sflag:s22] =	ssyncadd.s32 $0xFFFFF000  }
0x22c: {  	[tilespmem:s20], [sflag:$0x1] =	stream.strided.gather [hbm4b:s0+s15], $0x1000, s16, s15, $0x38;
	[tilespmem:$0x1D700] =	vst v63  }
0x22d: {  	s31 =	sadd.s32 $0x1070, s29;
	s30 =	simm.s32 $0x0  }
0x22e: {  	[tilespmem:s21], [sflag:$0x1] =	stream.strided.gather [hbm4b:s31+s15], $0x1000, s16, s15, $0x38;
	[tilespmem:$0x1D700] =	vst v63  }
0x22f: {  	v0 =	vld [tilespmem:s30+$0x18770]  }
0x230: {  	v1 =	vld [tilespmem:s30+$0x19770]  }
0x231: {  	v2 =	vld [tilespmem:s30+$0x18740]  }
0x232: {  	v3 =	vld [tilespmem:s30+$0x18750]  }
0x233: {  	v4 =	vld [tilespmem:s30+$0x18760]  }
0x234: {  	v5 =	vld [tilespmem:s30+$0x19740]  }
0x235: {  	v6 =	vld [tilespmem:s30+$0x19750]  }
0x236: {  	v7 =	vld [tilespmem:s30+$0x19760]  }
0x237: {  	v8 =	vld [tilespmem:s30+$0x18700]  }
0x238: {  	v9 =	vld [tilespmem:s30+$0x18730]  }
0x239: {  	v10 =	vld [tilespmem:s30+$0x19700]  }
0x23a: {  	v11 =	vld [tilespmem:s30+$0x19710]  }
0x23b: {  	v12 =	vld [tilespmem:s30+$0x19720]  }
0x23c: {  	v0 =	vld.idx.msk [tilespmem:v0+s5+$0x0], $0xffff  }
0x23d: {  	v1 =	vld.idx.msk [tilespmem:v1+s5+$0x0], $0xffff  }
0x23e: {  	v2 =	vld.idx.msk [tilespmem:v2+s5+$0x0], $0xffff  }
0x23f: {  	v3 =	vld.idx.msk [tilespmem:v3+s5+$0x0], $0xffff  }
0x240: {  	v4 =	vld.idx.msk [tilespmem:v4+s5+$0x0], $0xffff  }
0x241: {  	v5 =	vld.idx.msk [tilespmem:v5+s5+$0x0], $0xffff  }
0x242: {  	v6 =	vld.idx.msk [tilespmem:v6+s5+$0x0], $0xffff;
	v0 =	vadd.f32 v1, v0  }
0x243: {  	v1 =	vld.idx.msk [tilespmem:v7+s5+$0x0], $0xffff  }
0x244: {  	[tilespmem:s30+$0x1C770] =	vst.add.f32.msk $0xffff, v0  }
0x245: {  	v0 =	vld [tilespmem:s30+$0x18710]  }
0x246: {  	v61 =	vld [tilespmem:s30+$0x18720]  }
0x247: {  	v13 =	vld [tilespmem:s30+$0x19730]  }
0x248: {  	v8 =	vld.idx.msk [tilespmem:v8+s5+$0x0], $0xffff  }
0x249: {  	v9 =	vld.idx.msk [tilespmem:v9+s5+$0x0], $0xffff  }
0x24a: {  	v10 =	vld.idx.msk [tilespmem:v10+s5+$0x0], $0xffff  }
0x24b: {  	v11 =	vld.idx.msk [tilespmem:v11+s5+$0x0], $0xffff  }
0x24c: {  	v62 =	vld.idx.msk [tilespmem:v12+s5+$0x0], $0xffff  }
0x24d: {  	v0 =	vld.idx.msk [tilespmem:v0+s5+$0x0], $0xffff  }
0x24e: {  	v7 =	vld.idx.msk [tilespmem:v61+s5+$0x0], $0xffff;
	v2 =	vadd.f32 v5, v2  }
0x24f: {  	v63 =	vld.idx.msk [tilespmem:v13+s5+$0x0], $0xffff;
	v3 =	vadd.f32 v6, v3  }
0x250: {  	[tilespmem:s30+$0x1C740] =	vst.add.f32.msk $0xffff, v2;
	v1 =	vadd.f32 v1, v4  }
0x251: {  	v2 =	vadd.f32 v10, v8;
	[tilespmem:s30+$0x1C750] =	vst.add.f32.msk $0xffff, v3  }
0x252: {  	[tilespmem:s30+$0x1C760] =	vst.add.f32.msk $0xffff, v1;
	v3 =	vadd.f32 v11, v0  }
0x253: {  	v1 =	vadd.f32 v62, v7;
	[tilespmem:s30+$0x1C700] =	vst.add.f32.msk $0xffff, v2  }
0x254: {  	s2 =	simm.s32 $0x200;
	s0 =	simm.s32 $0x0;
	v0 =	vadd.f32 v63, v9;
	[tilespmem:s30+$0x1C710] =	vst.add.f32.msk $0xffff, v3  }
.LBB2_15:
0x255: {  	s1 =	sshra.s32 s2, $0x2;
	[tilespmem:s30+$0x1C720] =	vst.add.f32.msk $0xffff, v1  }
0x256: {  	s0 =	sadd.s32 $0x2, s0;
	v1 =	vld [tilespmem:s1+$0x18770]  }
0x257: {  	p0 =	slt.u32 s0, $0x3E;
	v2 =	vld [tilespmem:s1+$0x19770]  }
0x258: {  	v3 =	vld [tilespmem:s1+$0x18740]  }
0x259: {  	v4 =	vld [tilespmem:s1+$0x18750]  }
0x25a: {  	v5 =	vld [tilespmem:s1+$0x18760]  }
0x25b: {  	v6 =	vld [tilespmem:s1+$0x19740]  }
0x25c: {  	v7 =	vld [tilespmem:s1+$0x19750]  }
0x25d: {  	v8 =	vld [tilespmem:s1+$0x19760]  }
0x25e: {  	v1 =	vld.idx.msk [tilespmem:v1+s5+$0x0], $0xffff  }
0x25f: {  	v2 =	vld.idx.msk [tilespmem:v2+s5+$0x0], $0xffff  }
0x260: {  	v9 =	vld [tilespmem:s1+$0x18700]  }
0x261: {  	v3 =	vld.idx.msk [tilespmem:v3+s5+$0x0], $0xffff  }
0x262: {  	v4 =	vld.idx.msk [tilespmem:v4+s5+$0x0], $0xffff  }
0x263: {  	v5 =	vld.idx.msk [tilespmem:v5+s5+$0x0], $0xffff  }
0x264: {  	v6 =	vld.idx.msk [tilespmem:v6+s5+$0x0], $0xffff  }
0x265: {  	v1 =	vadd.f32 v2, v1;
	v7 =	vld.idx.msk [tilespmem:v7+s5+$0x0], $0xffff  }
0x266: {  	v2 =	vld.idx.msk [tilespmem:v8+s5+$0x0], $0xffff  }
0x267: {  	[tilespmem:s1+$0x1C770] =	vst.add.f32.msk $0xffff, v1  }
0x268: {  	v1 =	vld [tilespmem:s1+$0x18710]  }
0x269: {  	v8 =	vld [tilespmem:s1+$0x18720]  }
0x26a: {  	v3 =	vadd.f32 v6, v3;
	v10 =	vld [tilespmem:s1+$0x18730]  }
0x26b: {  	v4 =	vadd.f32 v7, v4;
	v6 =	vld [tilespmem:s1+$0x19700]  }
0x26c: {  	v2 =	vadd.f32 v2, v5;
	v7 =	vld [tilespmem:s1+$0x19710]  }
0x26d: {  	v5 =	vld [tilespmem:s1+$0x19720]  }
0x26e: {  	v11 =	vld [tilespmem:s1+$0x19730]  }
0x26f: {  	v9 =	vld.idx.msk [tilespmem:v9+s5+$0x0], $0xffff  }
0x270: {  	v1 =	vld.idx.msk [tilespmem:v1+s5+$0x0], $0xffff  }
0x271: {  	v8 =	vld.idx.msk [tilespmem:v8+s5+$0x0], $0xffff  }
0x272: {  	v10 =	vld.idx.msk [tilespmem:v10+s5+$0x0], $0xffff  }
0x273: {  	v6 =	vld.idx.msk [tilespmem:v6+s5+$0x0], $0xffff  }
0x274: {  	v7 =	vld.idx.msk [tilespmem:v7+s5+$0x0], $0xffff  }
0x275: {  	v5 =	vld.idx.msk [tilespmem:v5+s5+$0x0], $0xffff  }
0x276: {  	v11 =	vld.idx.msk [tilespmem:v11+s5+$0x0], $0xffff  }
0x277: {  	[tilespmem:s30+$0x1C730] =	vst.add.f32.msk $0xffff, v0;
	s30 =	smov.u32 s1  }
.Ltmp6:
0x278: {  	[tilespmem:s30+$0x1C740] =	vst.add.f32.msk $0xffff, v3;
	(pc) =	sbr.rel @p0 .LBB2_15-.Ltmp6, $4  }
0x279: {  	v0 =	vadd.f32 v6, v9;
	[tilespmem:s30+$0x1C750] =	vst.add.f32.msk $0xffff, v4  }
0x27a: {  	v3 =	vadd.f32 v7, v1;
	[tilespmem:s30+$0x1C760] =	vst.add.f32.msk $0xffff, v2  }
0x27b: {  	v1 =	vadd.f32 v5, v8;
	[tilespmem:s30+$0x1C700] =	vst.add.f32.msk $0xffff, v0  }
0x27c: {  	s2 =	sadd.s32 $0x200, s2;
	v0 =	vadd.f32 v11, v10;
	[tilespmem:s30+$0x1C710] =	vst.add.f32.msk $0xffff, v3  }
0x27d: {  	[tilespmem:s30+$0x1C720] =	vst.add.f32.msk $0xffff, v1  }
0x27e: {  	[tilespmem:s30+$0x1C730] =	vst.add.f32.msk $0xffff, v0  }
0x27f: {  	_ =	swait.ge [sflag:s22], $0x1000  }
0x280: {  	[sflag:s22] =	ssyncset.done $0x0  }
0x281: {  	[sflag:s22] =	ssyncadd.s32 $0xFFFFF000  }
0x282: {  	_ =	swait.ge [sflag:s22], $0x1000  }
0x283: {  	[sflag:s22] =	ssyncset.done $0x0  }
0x284: {  	s0 =	sadd.s32 $0x2000, s29;
	[sflag:s22] =	ssyncadd.s32 $0xFFFFF000  }
0x285: {  	[tilespmem:s18], [sflag:$0x1] =	stream.strided.gather [hbm4b:s0+s15], $0x1000, s16, s15, $0x38;
	[tilespmem:$0x1D700] =	vst v63  }
0x286: {  	s31 =	sadd.s32 $0x2010, s29;
	s30 =	simm.s32 $0x0  }
0x287: {  	[tilespmem:s19], [sflag:$0x1] =	stream.strided.gather [hbm4b:s31+s15], $0x1000, s16, s15, $0x38;
	[tilespmem:$0x1D700] =	vst v63  }
0x288: {  	v0 =	vld [tilespmem:s30+$0x1A770]  }
0x289: {  	v1 =	vld [tilespmem:s30+$0x1B770]  }
0x28a: {  	v2 =	vld [tilespmem:s30+$0x1A740]  }
0x28b: {  	v3 =	vld [tilespmem:s30+$0x1A750]  }
0x28c: {  	v4 =	vld [tilespmem:s30+$0x1A760]  }
0x28d: {  	v5 =	vld [tilespmem:s30+$0x1B740]  }
0x28e: {  	v6 =	vld [tilespmem:s30+$0x1B750]  }
0x28f: {  	v7 =	vld [tilespmem:s30+$0x1B760]  }
0x290: {  	v8 =	vld [tilespmem:s30+$0x1A700]  }
0x291: {  	v9 =	vld [tilespmem:s30+$0x1A730]  }
0x292: {  	v10 =	vld [tilespmem:s30+$0x1B700]  }
0x293: {  	v11 =	vld [tilespmem:s30+$0x1B710]  }
0x294: {  	v12 =	vld [tilespmem:s30+$0x1B720]  }
0x295: {  	v0 =	vld.idx.msk [tilespmem:v0+s5+$0x0], $0xffff  }
0x296: {  	v1 =	vld.idx.msk [tilespmem:v1+s5+$0x0], $0xffff  }
0x297: {  	v2 =	vld.idx.msk [tilespmem:v2+s5+$0x0], $0xffff  }
0x298: {  	v3 =	vld.idx.msk [tilespmem:v3+s5+$0x0], $0xffff  }
0x299: {  	v4 =	vld.idx.msk [tilespmem:v4+s5+$0x0], $0xffff  }
0x29a: {  	v5 =	vld.idx.msk [tilespmem:v5+s5+$0x0], $0xffff  }
0x29b: {  	v6 =	vld.idx.msk [tilespmem:v6+s5+$0x0], $0xffff;
	v0 =	vadd.f32 v1, v0  }
0x29c: {  	v1 =	vld.idx.msk [tilespmem:v7+s5+$0x0], $0xffff  }
0x29d: {  	[tilespmem:s30+$0x1C770] =	vst.add.f32.msk $0xffff, v0  }
0x29e: {  	v0 =	vld [tilespmem:s30+$0x1A710]  }
0x29f: {  	v61 =	vld [tilespmem:s30+$0x1A720]  }
0x2a0: {  	v13 =	vld [tilespmem:s30+$0x1B730]  }
0x2a1: {  	v8 =	vld.idx.msk [tilespmem:v8+s5+$0x0], $0xffff  }
0x2a2: {  	v9 =	vld.idx.msk [tilespmem:v9+s5+$0x0], $0xffff  }
0x2a3: {  	v10 =	vld.idx.msk [tilespmem:v10+s5+$0x0], $0xffff  }
0x2a4: {  	v11 =	vld.idx.msk [tilespmem:v11+s5+$0x0], $0xffff  }
0x2a5: {  	v62 =	vld.idx.msk [tilespmem:v12+s5+$0x0], $0xffff  }
0x2a6: {  	v0 =	vld.idx.msk [tilespmem:v0+s5+$0x0], $0xffff  }
0x2a7: {  	v7 =	vld.idx.msk [tilespmem:v61+s5+$0x0], $0xffff;
	v2 =	vadd.f32 v5, v2  }
0x2a8: {  	v63 =	vld.idx.msk [tilespmem:v13+s5+$0x0], $0xffff;
	v3 =	vadd.f32 v6, v3  }
0x2a9: {  	[tilespmem:s30+$0x1C740] =	vst.add.f32.msk $0xffff, v2;
	v1 =	vadd.f32 v1, v4  }
0x2aa: {  	v2 =	vadd.f32 v10, v8;
	[tilespmem:s30+$0x1C750] =	vst.add.f32.msk $0xffff, v3  }
0x2ab: {  	[tilespmem:s30+$0x1C760] =	vst.add.f32.msk $0xffff, v1;
	v3 =	vadd.f32 v11, v0  }
0x2ac: {  	v1 =	vadd.f32 v62, v7;
	[tilespmem:s30+$0x1C700] =	vst.add.f32.msk $0xffff, v2  }
0x2ad: {  	s2 =	simm.s32 $0x200;
	s0 =	simm.s32 $0x0;
	v0 =	vadd.f32 v63, v9;
	[tilespmem:s30+$0x1C710] =	vst.add.f32.msk $0xffff, v3  }
.LBB2_17:
0x2ae: {  	s1 =	sshra.s32 s2, $0x2;
	[tilespmem:s30+$0x1C720] =	vst.add.f32.msk $0xffff, v1  }
0x2af: {  	s0 =	sadd.s32 $0x2, s0;
	v1 =	vld [tilespmem:s1+$0x1A770]  }
0x2b0: {  	p0 =	slt.u32 s0, $0x3E;
	v2 =	vld [tilespmem:s1+$0x1B770]  }
0x2b1: {  	v3 =	vld [tilespmem:s1+$0x1A740]  }
0x2b2: {  	v4 =	vld [tilespmem:s1+$0x1A750]  }
0x2b3: {  	v5 =	vld [tilespmem:s1+$0x1A760]  }
0x2b4: {  	v6 =	vld [tilespmem:s1+$0x1B740]  }
0x2b5: {  	v7 =	vld [tilespmem:s1+$0x1B750]  }
0x2b6: {  	v8 =	vld [tilespmem:s1+$0x1B760]  }
0x2b7: {  	v1 =	vld.idx.msk [tilespmem:v1+s5+$0x0], $0xffff  }
0x2b8: {  	v2 =	vld.idx.msk [tilespmem:v2+s5+$0x0], $0xffff  }
0x2b9: {  	v9 =	vld [tilespmem:s1+$0x1A700]  }
0x2ba: {  	v3 =	vld.idx.msk [tilespmem:v3+s5+$0x0], $0xffff  }
0x2bb: {  	v4 =	vld.idx.msk [tilespmem:v4+s5+$0x0], $0xffff  }
0x2bc: {  	v5 =	vld.idx.msk [tilespmem:v5+s5+$0x0], $0xffff  }
0x2bd: {  	v6 =	vld.idx.msk [tilespmem:v6+s5+$0x0], $0xffff  }
0x2be: {  	v1 =	vadd.f32 v2, v1;
	v7 =	vld.idx.msk [tilespmem:v7+s5+$0x0], $0xffff  }
0x2bf: {  	v2 =	vld.idx.msk [tilespmem:v8+s5+$0x0], $0xffff  }
0x2c0: {  	[tilespmem:s1+$0x1C770] =	vst.add.f32.msk $0xffff, v1  }
0x2c1: {  	v1 =	vld [tilespmem:s1+$0x1A710]  }
0x2c2: {  	v8 =	vld [tilespmem:s1+$0x1A720]  }
0x2c3: {  	v3 =	vadd.f32 v6, v3;
	v10 =	vld [tilespmem:s1+$0x1A730]  }
0x2c4: {  	v4 =	vadd.f32 v7, v4;
	v6 =	vld [tilespmem:s1+$0x1B700]  }
0x2c5: {  	v2 =	vadd.f32 v2, v5;
	v7 =	vld [tilespmem:s1+$0x1B710]  }
0x2c6: {  	v5 =	vld [tilespmem:s1+$0x1B720]  }
0x2c7: {  	v11 =	vld [tilespmem:s1+$0x1B730]  }
0x2c8: {  	v9 =	vld.idx.msk [tilespmem:v9+s5+$0x0], $0xffff  }
0x2c9: {  	v1 =	vld.idx.msk [tilespmem:v1+s5+$0x0], $0xffff  }
0x2ca: {  	v8 =	vld.idx.msk [tilespmem:v8+s5+$0x0], $0xffff  }
0x2cb: {  	v10 =	vld.idx.msk [tilespmem:v10+s5+$0x0], $0xffff  }
0x2cc: {  	v6 =	vld.idx.msk [tilespmem:v6+s5+$0x0], $0xffff  }
0x2cd: {  	v7 =	vld.idx.msk [tilespmem:v7+s5+$0x0], $0xffff  }
0x2ce: {  	v5 =	vld.idx.msk [tilespmem:v5+s5+$0x0], $0xffff  }
0x2cf: {  	v11 =	vld.idx.msk [tilespmem:v11+s5+$0x0], $0xffff  }
0x2d0: {  	[tilespmem:s30+$0x1C730] =	vst.add.f32.msk $0xffff, v0;
	s30 =	smov.u32 s1  }
.Ltmp7:
0x2d1: {  	[tilespmem:s30+$0x1C740] =	vst.add.f32.msk $0xffff, v3;
	(pc) =	sbr.rel @p0 .LBB2_17-.Ltmp7, $4  }
0x2d2: {  	v0 =	vadd.f32 v6, v9;
	[tilespmem:s30+$0x1C750] =	vst.add.f32.msk $0xffff, v4  }
0x2d3: {  	v3 =	vadd.f32 v7, v1;
	[tilespmem:s30+$0x1C760] =	vst.add.f32.msk $0xffff, v2  }
0x2d4: {  	v1 =	vadd.f32 v5, v8;
	[tilespmem:s30+$0x1C700] =	vst.add.f32.msk $0xffff, v0  }
0x2d5: {  	s2 =	sadd.s32 $0x200, s2;
	v0 =	vadd.f32 v11, v10;
	[tilespmem:s30+$0x1C710] =	vst.add.f32.msk $0xffff, v3  }
0x2d6: {  	[tilespmem:s30+$0x1C720] =	vst.add.f32.msk $0xffff, v1  }
0x2d7: {  	[tilespmem:s30+$0x1C730] =	vst.add.f32.msk $0xffff, v0  }
0x2d8: {  	_ =	swait.ge [sflag:s22], $0x1000  }
0x2d9: {  	[sflag:s22] =	ssyncset.done $0x0  }
0x2da: {  	[sflag:s22] =	ssyncadd.s32 $0xFFFFF000  }
0x2db: {  	_ =	swait.ge [sflag:s22], $0x1000  }
0x2dc: {  	[sflag:s22] =	ssyncset.done $0x0  }
0x2dd: {  	s0 =	sadd.s32 $0x2020, s29;
	[sflag:s22] =	ssyncadd.s32 $0xFFFFF000  }
0x2de: {  	[tilespmem:s20], [sflag:$0x1] =	stream.strided.gather [hbm4b:s0+s15], $0x1000, s16, s15, $0x38;
	[tilespmem:$0x1D700] =	vst v63  }
0x2df: {  	s31 =	sadd.s32 $0x2030, s29;
	s29 =	simm.s32 $0x0  }
0x2e0: {  	[tilespmem:s21], [sflag:$0x1] =	stream.strided.gather [hbm4b:s31+s15], $0x1000, s16, s15, $0x38;
	[tilespmem:$0x1D700] =	vst v63  }
0x2e1: {  	v0 =	vld [tilespmem:s29+$0x18770]  }
0x2e2: {  	v1 =	vld [tilespmem:s29+$0x19770]  }
0x2e3: {  	v2 =	vld [tilespmem:s29+$0x18740]  }
0x2e4: {  	v3 =	vld [tilespmem:s29+$0x18750]  }
0x2e5: {  	v4 =	vld [tilespmem:s29+$0x18760]  }
0x2e6: {  	v5 =	vld [tilespmem:s29+$0x19740]  }
0x2e7: {  	v6 =	vld [tilespmem:s29+$0x19750]  }
0x2e8: {  	v7 =	vld [tilespmem:s29+$0x19760]  }
0x2e9: {  	v8 =	vld [tilespmem:s29+$0x18700]  }
0x2ea: {  	v9 =	vld [tilespmem:s29+$0x18730]  }
0x2eb: {  	v10 =	vld [tilespmem:s29+$0x19700]  }
0x2ec: {  	v11 =	vld [tilespmem:s29+$0x19710]  }
0x2ed: {  	v12 =	vld [tilespmem:s29+$0x19720]  }
0x2ee: {  	v0 =	vld.idx.msk [tilespmem:v0+s5+$0x0], $0xffff  }
0x2ef: {  	v1 =	vld.idx.msk [tilespmem:v1+s5+$0x0], $0xffff  }
0x2f0: {  	v2 =	vld.idx.msk [tilespmem:v2+s5+$0x0], $0xffff  }
0x2f1: {  	v3 =	vld.idx.msk [tilespmem:v3+s5+$0x0], $0xffff  }
0x2f2: {  	v4 =	vld.idx.msk [tilespmem:v4+s5+$0x0], $0xffff  }
0x2f3: {  	v5 =	vld.idx.msk [tilespmem:v5+s5+$0x0], $0xffff  }
0x2f4: {  	v6 =	vld.idx.msk [tilespmem:v6+s5+$0x0], $0xffff;
	v0 =	vadd.f32 v1, v0  }
0x2f5: {  	v1 =	vld.idx.msk [tilespmem:v7+s5+$0x0], $0xffff  }
0x2f6: {  	[tilespmem:s29+$0x1C770] =	vst.add.f32.msk $0xffff, v0  }
0x2f7: {  	v0 =	vld [tilespmem:s29+$0x18710]  }
0x2f8: {  	v61 =	vld [tilespmem:s29+$0x18720]  }
0x2f9: {  	v13 =	vld [tilespmem:s29+$0x19730]  }
0x2fa: {  	v8 =	vld.idx.msk [tilespmem:v8+s5+$0x0], $0xffff  }
0x2fb: {  	v9 =	vld.idx.msk [tilespmem:v9+s5+$0x0], $0xffff  }
0x2fc: {  	v10 =	vld.idx.msk [tilespmem:v10+s5+$0x0], $0xffff  }
0x2fd: {  	v11 =	vld.idx.msk [tilespmem:v11+s5+$0x0], $0xffff  }
0x2fe: {  	v62 =	vld.idx.msk [tilespmem:v12+s5+$0x0], $0xffff  }
0x2ff: {  	v0 =	vld.idx.msk [tilespmem:v0+s5+$0x0], $0xffff  }
0x300: {  	v7 =	vld.idx.msk [tilespmem:v61+s5+$0x0], $0xffff;
	v2 =	vadd.f32 v5, v2  }
0x301: {  	v63 =	vld.idx.msk [tilespmem:v13+s5+$0x0], $0xffff;
	v3 =	vadd.f32 v6, v3  }
0x302: {  	[tilespmem:s29+$0x1C740] =	vst.add.f32.msk $0xffff, v2;
	v1 =	vadd.f32 v1, v4  }
0x303: {  	v2 =	vadd.f32 v10, v8;
	[tilespmem:s29+$0x1C750] =	vst.add.f32.msk $0xffff, v3  }
0x304: {  	[tilespmem:s29+$0x1C760] =	vst.add.f32.msk $0xffff, v1;
	v3 =	vadd.f32 v11, v0  }
0x305: {  	v1 =	vadd.f32 v62, v7;
	[tilespmem:s29+$0x1C700] =	vst.add.f32.msk $0xffff, v2  }
0x306: {  	s2 =	simm.s32 $0x200;
	s0 =	simm.s32 $0x0;
	v0 =	vadd.f32 v63, v9;
	[tilespmem:s29+$0x1C710] =	vst.add.f32.msk $0xffff, v3  }
.LBB2_19:
0x307: {  	s1 =	sshra.s32 s2, $0x2;
	[tilespmem:s29+$0x1C720] =	vst.add.f32.msk $0xffff, v1  }
0x308: {  	s0 =	sadd.s32 $0x2, s0;
	v1 =	vld [tilespmem:s1+$0x18770]  }
0x309: {  	p0 =	slt.u32 s0, $0x3E;
	v2 =	vld [tilespmem:s1+$0x19770]  }
0x30a: {  	v3 =	vld [tilespmem:s1+$0x18740]  }
0x30b: {  	v4 =	vld [tilespmem:s1+$0x18750]  }
0x30c: {  	v5 =	vld [tilespmem:s1+$0x18760]  }
0x30d: {  	v6 =	vld [tilespmem:s1+$0x19740]  }
0x30e: {  	v7 =	vld [tilespmem:s1+$0x19750]  }
0x30f: {  	v8 =	vld [tilespmem:s1+$0x19760]  }
0x310: {  	v1 =	vld.idx.msk [tilespmem:v1+s5+$0x0], $0xffff  }
0x311: {  	v2 =	vld.idx.msk [tilespmem:v2+s5+$0x0], $0xffff  }
0x312: {  	v9 =	vld [tilespmem:s1+$0x18700]  }
0x313: {  	v3 =	vld.idx.msk [tilespmem:v3+s5+$0x0], $0xffff  }
0x314: {  	v4 =	vld.idx.msk [tilespmem:v4+s5+$0x0], $0xffff  }
0x315: {  	v5 =	vld.idx.msk [tilespmem:v5+s5+$0x0], $0xffff  }
0x316: {  	v6 =	vld.idx.msk [tilespmem:v6+s5+$0x0], $0xffff  }
0x317: {  	v1 =	vadd.f32 v2, v1;
	v7 =	vld.idx.msk [tilespmem:v7+s5+$0x0], $0xffff  }
0x318: {  	v2 =	vld.idx.msk [tilespmem:v8+s5+$0x0], $0xffff  }
0x319: {  	[tilespmem:s1+$0x1C770] =	vst.add.f32.msk $0xffff, v1  }
0x31a: {  	v1 =	vld [tilespmem:s1+$0x18710]  }
0x31b: {  	v8 =	vld [tilespmem:s1+$0x18720]  }
0x31c: {  	v3 =	vadd.f32 v6, v3;
	v10 =	vld [tilespmem:s1+$0x18730]  }
0x31d: {  	v4 =	vadd.f32 v7, v4;
	v6 =	vld [tilespmem:s1+$0x19700]  }
0x31e: {  	v2 =	vadd.f32 v2, v5;
	v7 =	vld [tilespmem:s1+$0x19710]  }
0x31f: {  	v5 =	vld [tilespmem:s1+$0x19720]  }
0x320: {  	v11 =	vld [tilespmem:s1+$0x19730]  }
0x321: {  	v9 =	vld.idx.msk [tilespmem:v9+s5+$0x0], $0xffff  }
0x322: {  	v1 =	vld.idx.msk [tilespmem:v1+s5+$0x0], $0xffff  }
0x323: {  	v8 =	vld.idx.msk [tilespmem:v8+s5+$0x0], $0xffff  }
0x324: {  	v10 =	vld.idx.msk [tilespmem:v10+s5+$0x0], $0xffff  }
0x325: {  	v6 =	vld.idx.msk [tilespmem:v6+s5+$0x0], $0xffff  }
0x326: {  	v7 =	vld.idx.msk [tilespmem:v7+s5+$0x0], $0xffff  }
0x327: {  	v5 =	vld.idx.msk [tilespmem:v5+s5+$0x0], $0xffff  }
0x328: {  	v11 =	vld.idx.msk [tilespmem:v11+s5+$0x0], $0xffff  }
0x329: {  	[tilespmem:s29+$0x1C730] =	vst.add.f32.msk $0xffff, v0;
	s29 =	smov.u32 s1  }
.Ltmp8:
0x32a: {  	[tilespmem:s29+$0x1C740] =	vst.add.f32.msk $0xffff, v3;
	(pc) =	sbr.rel @p0 .LBB2_19-.Ltmp8, $4  }
0x32b: {  	v0 =	vadd.f32 v6, v9;
	[tilespmem:s29+$0x1C750] =	vst.add.f32.msk $0xffff, v4  }
0x32c: {  	v3 =	vadd.f32 v7, v1;
	[tilespmem:s29+$0x1C760] =	vst.add.f32.msk $0xffff, v2  }
0x32d: {  	v1 =	vadd.f32 v5, v8;
	[tilespmem:s29+$0x1C700] =	vst.add.f32.msk $0xffff, v0  }
0x32e: {  	s2 =	sadd.s32 $0x200, s2;
	v0 =	vadd.f32 v11, v10;
	[tilespmem:s29+$0x1C710] =	vst.add.f32.msk $0xffff, v3  }
0x32f: {  	[tilespmem:s29+$0x1C720] =	vst.add.f32.msk $0xffff, v1  }
0x330: {  	[tilespmem:s29+$0x1C730] =	vst.add.f32.msk $0xffff, v0  }
0x331: {  	_ =	swait.ge [sflag:s22], $0x1000  }
0x332: {  	[sflag:s22] =	ssyncset.done $0x0  }
0x333: {  	[sflag:s22] =	ssyncadd.s32 $0xFFFFF000  }
0x334: {  	_ =	swait.ge [sflag:s22], $0x1000  }
0x335: {  	[sflag:s22] =	ssyncset.done $0x0  }
0x336: {  	s29 =	simm.s32 $0x0;
	[sflag:s22] =	ssyncadd.s32 $0xFFFFF000  }
0x337: {  	v0 =	vld [tilespmem:s29+$0x1A770]  }
0x338: {  	v1 =	vld [tilespmem:s29+$0x1B770]  }
0x339: {  	v2 =	vld [tilespmem:s29+$0x1A740]  }
0x33a: {  	v3 =	vld [tilespmem:s29+$0x1A750]  }
0x33b: {  	v4 =	vld [tilespmem:s29+$0x1A760]  }
0x33c: {  	v5 =	vld [tilespmem:s29+$0x1B740]  }
0x33d: {  	v6 =	vld [tilespmem:s29+$0x1B750]  }
0x33e: {  	v7 =	vld [tilespmem:s29+$0x1B760]  }
0x33f: {  	v8 =	vld [tilespmem:s29+$0x1A700]  }
0x340: {  	v9 =	vld [tilespmem:s29+$0x1A730]  }
0x341: {  	v10 =	vld [tilespmem:s29+$0x1B700]  }
0x342: {  	v11 =	vld [tilespmem:s29+$0x1B710]  }
0x343: {  	v12 =	vld [tilespmem:s29+$0x1B720]  }
0x344: {  	v0 =	vld.idx.msk [tilespmem:v0+s5+$0x0], $0xffff  }
0x345: {  	v1 =	vld.idx.msk [tilespmem:v1+s5+$0x0], $0xffff  }
0x346: {  	v2 =	vld.idx.msk [tilespmem:v2+s5+$0x0], $0xffff  }
0x347: {  	v3 =	vld.idx.msk [tilespmem:v3+s5+$0x0], $0xffff  }
0x348: {  	v4 =	vld.idx.msk [tilespmem:v4+s5+$0x0], $0xffff  }
0x349: {  	v5 =	vld.idx.msk [tilespmem:v5+s5+$0x0], $0xffff  }
0x34a: {  	v6 =	vld.idx.msk [tilespmem:v6+s5+$0x0], $0xffff;
	v0 =	vadd.f32 v1, v0  }
0x34b: {  	v1 =	vld.idx.msk [tilespmem:v7+s5+$0x0], $0xffff  }
0x34c: {  	[tilespmem:s29+$0x1C770] =	vst.add.f32.msk $0xffff, v0  }
0x34d: {  	v0 =	vld [tilespmem:s29+$0x1A710]  }
0x34e: {  	v61 =	vld [tilespmem:s29+$0x1A720]  }
0x34f: {  	v13 =	vld [tilespmem:s29+$0x1B730]  }
0x350: {  	v8 =	vld.idx.msk [tilespmem:v8+s5+$0x0], $0xffff  }
0x351: {  	v9 =	vld.idx.msk [tilespmem:v9+s5+$0x0], $0xffff  }
0x352: {  	v10 =	vld.idx.msk [tilespmem:v10+s5+$0x0], $0xffff  }
0x353: {  	v11 =	vld.idx.msk [tilespmem:v11+s5+$0x0], $0xffff  }
0x354: {  	v62 =	vld.idx.msk [tilespmem:v12+s5+$0x0], $0xffff  }
0x355: {  	v0 =	vld.idx.msk [tilespmem:v0+s5+$0x0], $0xffff  }
0x356: {  	v7 =	vld.idx.msk [tilespmem:v61+s5+$0x0], $0xffff;
	v2 =	vadd.f32 v5, v2  }
0x357: {  	v63 =	vld.idx.msk [tilespmem:v13+s5+$0x0], $0xffff;
	v3 =	vadd.f32 v6, v3  }
0x358: {  	[tilespmem:s29+$0x1C740] =	vst.add.f32.msk $0xffff, v2;
	v1 =	vadd.f32 v1, v4  }
0x359: {  	v2 =	vadd.f32 v10, v8;
	[tilespmem:s29+$0x1C750] =	vst.add.f32.msk $0xffff, v3  }
0x35a: {  	[tilespmem:s29+$0x1C760] =	vst.add.f32.msk $0xffff, v1;
	v3 =	vadd.f32 v11, v0  }
0x35b: {  	v1 =	vadd.f32 v62, v7;
	[tilespmem:s29+$0x1C700] =	vst.add.f32.msk $0xffff, v2  }
0x35c: {  	s0 =	simm.s32 $0x0;
	s2 =	simm.s32 $0x200;
	v0 =	vadd.f32 v63, v9;
	[tilespmem:s29+$0x1C710] =	vst.add.f32.msk $0xffff, v3  }
.LBB2_21:
0x35d: {  	s1 =	sshra.s32 s2, $0x2;
	[tilespmem:s29+$0x1C720] =	vst.add.f32.msk $0xffff, v1  }
0x35e: {  	s0 =	sadd.s32 $0x2, s0;
	v1 =	vld [tilespmem:s1+$0x1A770]  }
0x35f: {  	p0 =	slt.u32 s0, $0x3E;
	v2 =	vld [tilespmem:s1+$0x1B770]  }
0x360: {  	v3 =	vld [tilespmem:s1+$0x1A740]  }
0x361: {  	v4 =	vld [tilespmem:s1+$0x1A750]  }
0x362: {  	v5 =	vld [tilespmem:s1+$0x1A760]  }
0x363: {  	v6 =	vld [tilespmem:s1+$0x1B740]  }
0x364: {  	v7 =	vld [tilespmem:s1+$0x1B750]  }
0x365: {  	v8 =	vld [tilespmem:s1+$0x1B760]  }
0x366: {  	v1 =	vld.idx.msk [tilespmem:v1+s5+$0x0], $0xffff  }
0x367: {  	v2 =	vld.idx.msk [tilespmem:v2+s5+$0x0], $0xffff  }
0x368: {  	v9 =	vld [tilespmem:s1+$0x1A700]  }
0x369: {  	v3 =	vld.idx.msk [tilespmem:v3+s5+$0x0], $0xffff  }
0x36a: {  	v4 =	vld.idx.msk [tilespmem:v4+s5+$0x0], $0xffff  }
0x36b: {  	v5 =	vld.idx.msk [tilespmem:v5+s5+$0x0], $0xffff  }
0x36c: {  	v6 =	vld.idx.msk [tilespmem:v6+s5+$0x0], $0xffff  }
0x36d: {  	v1 =	vadd.f32 v2, v1;
	v7 =	vld.idx.msk [tilespmem:v7+s5+$0x0], $0xffff  }
0x36e: {  	v2 =	vld.idx.msk [tilespmem:v8+s5+$0x0], $0xffff  }
0x36f: {  	[tilespmem:s1+$0x1C770] =	vst.add.f32.msk $0xffff, v1  }
0x370: {  	v1 =	vld [tilespmem:s1+$0x1A710]  }
0x371: {  	v8 =	vld [tilespmem:s1+$0x1A720]  }
0x372: {  	v3 =	vadd.f32 v6, v3;
	v10 =	vld [tilespmem:s1+$0x1A730]  }
0x373: {  	v4 =	vadd.f32 v7, v4;
	v6 =	vld [tilespmem:s1+$0x1B700]  }
0x374: {  	v2 =	vadd.f32 v2, v5;
	v7 =	vld [tilespmem:s1+$0x1B710]  }
0x375: {  	v5 =	vld [tilespmem:s1+$0x1B720]  }
0x376: {  	v11 =	vld [tilespmem:s1+$0x1B730]  }
0x377: {  	v9 =	vld.idx.msk [tilespmem:v9+s5+$0x0], $0xffff  }
0x378: {  	v1 =	vld.idx.msk [tilespmem:v1+s5+$0x0], $0xffff  }
0x379: {  	v8 =	vld.idx.msk [tilespmem:v8+s5+$0x0], $0xffff  }
0x37a: {  	v10 =	vld.idx.msk [tilespmem:v10+s5+$0x0], $0xffff  }
0x37b: {  	v6 =	vld.idx.msk [tilespmem:v6+s5+$0x0], $0xffff  }
0x37c: {  	v7 =	vld.idx.msk [tilespmem:v7+s5+$0x0], $0xffff  }
0x37d: {  	v5 =	vld.idx.msk [tilespmem:v5+s5+$0x0], $0xffff  }
0x37e: {  	v11 =	vld.idx.msk [tilespmem:v11+s5+$0x0], $0xffff  }
0x37f: {  	[tilespmem:s29+$0x1C730] =	vst.add.f32.msk $0xffff, v0;
	s29 =	smov.u32 s1  }
.Ltmp9:
0x380: {  	[tilespmem:s29+$0x1C740] =	vst.add.f32.msk $0xffff, v3;
	(pc) =	sbr.rel @p0 .LBB2_21-.Ltmp9, $4  }
0x381: {  	v0 =	vadd.f32 v6, v9;
	[tilespmem:s29+$0x1C750] =	vst.add.f32.msk $0xffff, v4  }
0x382: {  	v3 =	vadd.f32 v7, v1;
	[tilespmem:s29+$0x1C760] =	vst.add.f32.msk $0xffff, v2  }
0x383: {  	v1 =	vadd.f32 v5, v8;
	[tilespmem:s29+$0x1C700] =	vst.add.f32.msk $0xffff, v0  }
0x384: {  	s2 =	sadd.s32 $0x200, s2;
	v0 =	vadd.f32 v11, v10;
	[tilespmem:s29+$0x1C710] =	vst.add.f32.msk $0xffff, v3  }
0x385: {  	s0 =	sshll.u32 s26, $0x9  }
0x386: {  	s1 =	sshll.u32 s28, $0xE;
	s0 =	sand.u32 $0x3000, s0  }
0x387: {  	s2 =	sshll.u32 s26, $0x4;
	s25 =	sadd.s32 $0x1, s25;
	s0 =	sadd.s32 s4, s0  }
0x388: {  	[tilespmem:s29+$0x1C720] =	vst.add.f32.msk $0xffff, v1;
	s31 =	sand.u32 $0x70, s2;
	p0 =	sne.s32 s25, $0x1A;
	s0 =	sadd.s32 s1, s0  }
.Ltmp10:
0x389: {  	[tilespmem:s29+$0x1C730] =	vst.add.f32.msk $0xffff, v0;
	s0 =	sadd.s32 s31, s0;
	(pc) =	sbr.rel @p0 .LBB2_2-.Ltmp10, $4  }
0x38a: {  	[hbm4b:s0+s15] =	stream.strided.scatter [tilespmem:s23], [sflag:$0x2], $0x1000, s16, s15, $0x38;
	[tilespmem:$0x1D700] =	vst v63  }
0x38b: {  	_ =	swait.ge [sflag:s17], $0x1000  }
0x38c: {  	[sflag:s17] =	ssyncset.done $0x0  }
0x38d: {  	[sflag:s17] =	ssyncadd.s32 $0xFFFFF000  }
0x38e: {  	s24 =	sadd.s32 $0x1, s24  }
0x38f: {  	p0 =	sne.s32 s24, s14  }
.Ltmp11:
0x390: {  	_ = 	snop;
	(pc) =	sbr.rel @p0 .LBB2_1-.Ltmp11, $1  }
0x391: {  	_ =	sdelay $0x3  }
0x392: {  	_ =	sfence.sel $0x180000  }
0x393: {  	[bflag:$0x0] =	sbarrier.arrive $0xFFFF  }
0x394: {  	_ =	strace $0x90000047  }
0x395: {  	s0 =	stileid.u32;
	[bflag:$0x2] =	sbarrier.arrive $0xFFFF  }
0x396: {  	p0 =	sne.s32 s0, $0x0;
	s0 =	rddreg [dreg:$0x3]  }
0x397: {  	s0 =	sadd.s32 @!p0 $0x100000, s0  }
0x398: {  	[sflag:s0] =	ssyncadd.tile.s32 @!p0 $0x1;
	_ =	shalt  }
.Lfunc_end2:
_tile_overlayer_lowered:
.L_overlay_start_2:
0x399: {  	(tag) =	ssettag $0x2  }
0x39a: {  	s0 =	rddreg [dreg:$0x0];
	s2 =	stileid.u32  }
0x39b: {  	s1 =	rddreg [dreg:$0x1];
	p0 =	sne.s32 s2, $0x0  }
0x39c: {  	s3 =	rddreg [dreg:$0x2];
	[bflag:$0x3] =	sbarrier.arrive $0xFFFF;
	s2 =	simm.s32 @!p0 $0x1C02  }
0x39d: {  	[timem:s3], [sflag:s2] =	dma.local @!p0 [hbm:s0], s1  }
0x39e: {  	s0 =	simm.s32 @!p0 $0x2  }
0x39f: {  	_ =	swait.ge @!p0 [sflag:s0], s1  }
0x3a0: {  	s1 =	ssub.s32 @!p0 $0x0, s1;
	[sflag:s0] =	ssyncset.done @!p0 $0x0  }
0x3a1: {  	[sflag:s0] =	ssyncadd.s32 @!p0 s1  }
0x3a2: {  	[bflag:$0x3] =	sbarrier.arrive $0xFFFF  }
0x3a3: {  	_ =	shalt  }

</sc_bundles>
